<compile_context>
chip_gen: v7x
topology: tpu7x:2x2x1
jax: 0.10.2.dev20260603
libtpu: 0.0.44.dev20260713+nightly
codegen_flags: <defaults>
</compile_context>

<pallas_src>
import dataclasses
import functools

import jax
import jax.numpy as jnp
import numpy as np
from jax import lax
from jax.experimental import pallas as pl
from jax.experimental.pallas import tpu as pltpu
from jax.experimental.pallas import tpu_sc as plsc

N = 10000
E = 320000
D = 128

NC = 2
NS = 16
NW = NC * NS
CH = 128
NP = 10240
RPT = NP // NS

KFULL = 80
TOTCH = NW * KFULL
EPAD = TOTCH * CH

_PAD = np.stack([np.arange(EPAD - E) % N,
                 N + np.arange(EPAD - E) % (NP - N)]).astype(np.int32)

_mesh = plsc.VectorSubcoreMesh(core_axis_name="c", subcore_axis_name="s")


def _zero_fill(vref, rows, width):
    @pl.loop(0, rows)
    def _(i):
        @pl.loop(0, width, step=16)
        def _(j):
            vref[i, pl.ds(j, 16)] = jnp.zeros((16,), jnp.float32)


def _zero_shared(zsrc, acc_sh, base):
    @pl.loop(0, RPT // CH)
    def _(t):
        pltpu.sync_copy(zsrc, acc_sh.at[pl.ds(base + t * CH, CH)])


_cp_deg = pltpu.CompilerParams()
if "needs_layout_passes" in pltpu.CompilerParams.__dataclass_fields__:
    _cp_deg = dataclasses.replace(_cp_deg, needs_layout_passes=False)


@functools.partial(
    pl.kernel,
    out_type=jax.ShapeDtypeStruct((NC, NP, D), jnp.float32),
    mesh=_mesh,
    compiler_params=_cp_deg,
    scratch_types=[
        pltpu.VMEM((KFULL, CH), jnp.int32),
        pltpu.VMEM((CH, CH), jnp.float32),
        pltpu.VMEM((1, CH), jnp.int32),
        pltpu.VMEM((RPT // CH, CH), jnp.float32),
        pltpu.VMEM((RPT, CH), jnp.float32),
        pltpu.VMEM_SHARED((CH, CH), jnp.float32),
    ],
)
def _deg_kernel(ei_hbm, deg_out, idx_v, hist_v, idrow_v, slab_v, obuf_v,
                acc_sh):
    c = lax.axis_index("c")
    s = lax.axis_index("s")
    w = c * NS + s
    base = s * RPT

    _zero_fill(hist_v, CH, CH)
    iota16 = lax.iota(jnp.int32, 16)

    @pl.loop(0, CH, step=16)
    def _(j):
        idrow_v[0, pl.ds(j, 16)] = iota16 + j

    pltpu.sync_copy(hist_v.at[pl.ds(0, 8)], acc_sh.at[pl.ds(s * 8, 8)])

    pltpu.sync_copy(ei_hbm.at[1, pl.ds(w * KFULL, KFULL)], idx_v)

    ones16 = jnp.ones((16,), jnp.float32)

    @pl.loop(0, KFULL)
    def _(j):
        @pl.loop(0, CH, step=16)
        def _(k):
            iv = idx_v[j, pl.ds(k, 16)]
            plsc.addupdate_scatter(hist_v, [iv >> 7, iv & 127], ones16)

    plsc.subcore_barrier()
    pltpu.sync_copy(hist_v, acc_sh.at[idrow_v.at[0]], add=True)
    plsc.subcore_barrier()

    pltpu.sync_copy(acc_sh.at[pl.ds(s * (RPT // CH), RPT // CH)], slab_v)

    @pl.loop(0, RPT // 16)
    def _(g):
        vec = slab_v[g >> 3, pl.ds((g & 7) * 16, 16)]
        for i in range(16):
            obuf_v[g * 16 + i, pl.ds(0, 16)] = jnp.full((16,), vec[i],
                                                        jnp.float32)

    pltpu.sync_copy(obuf_v, deg_out.at[c, pl.ds(base, RPT)])


NBUF = 2
HSTG = 40


def _agg_core(Kc, w, h2_hbm, ei_hbm, src_v, dst_v, rows, gsem, ssem,
              acc_sh):
    for blk in range(0, Kc, HSTG):
        stg = min(HSTG, Kc - blk)
        steps = stg // NBUF
        off = w * KFULL + blk
        pltpu.sync_copy(ei_hbm.at[0, pl.ds(off, stg)], src_v.at[pl.ds(0, stg)])
        pltpu.sync_copy(ei_hbm.at[1, pl.ds(off, stg)], dst_v.at[pl.ds(0, stg)])

        for b in range(NBUF):
            pltpu.async_copy(h2_hbm.at[src_v.at[b]], rows[b], gsem[b])

        @pl.loop(0, steps)
        def _(t):
            j0 = t * NBUF
            for b in range(NBUF):
                pltpu.make_async_copy(h2_hbm.at[src_v.at[j0 + b]], rows[b],
                                      gsem[b]).wait()
                pltpu.async_copy(rows[b], acc_sh.at[dst_v.at[j0 + b]], ssem[b],
                                 add=True)

            @pl.when(t + 1 < steps)
            def _():
                for b in range(NBUF):
                    pltpu.make_async_copy(rows[b], acc_sh.at[dst_v.at[j0 + b]],
                                          ssem[b]).wait()
                    pltpu.async_copy(h2_hbm.at[src_v.at[j0 + NBUF + b]],
                                     rows[b], gsem[b])

        for b in range(NBUF):
            pltpu.make_async_copy(rows[b],
                                  acc_sh.at[dst_v.at[(steps - 1) * NBUF + b]],
                                  ssem[b]).wait()


@functools.partial(
    pl.kernel,
    out_type=jax.ShapeDtypeStruct((NC, NP, D), jnp.float32),
    mesh=_mesh,
    compiler_params=_cp_deg,
    scratch_types=[
        pltpu.VMEM((HSTG, CH), jnp.int32),
        pltpu.VMEM((HSTG, CH), jnp.int32),
        [pltpu.VMEM((CH, D), jnp.float32)] * NBUF,
        [pltpu.SemaphoreType.DMA] * NBUF,
        [pltpu.SemaphoreType.DMA] * NBUF,
        pltpu.VMEM_SHARED((NP, D), jnp.float32),
    ],
)
def _agg_kernel(h2_hbm, ei_hbm, p_out, src_v, dst_v, rows, gsem, ssem,
                acc_sh):
    c = lax.axis_index("c")
    s = lax.axis_index("s")
    w = c * NS + s
    base = s * RPT

    _zero_fill(rows[0], CH, D)
    _zero_shared(rows[0], acc_sh, base)
    plsc.subcore_barrier()

    _agg_core(KFULL, w, h2_hbm, ei_hbm, src_v, dst_v, rows, gsem, ssem,
              acc_sh)

    plsc.subcore_barrier()
    pltpu.sync_copy(acc_sh.at[pl.ds(base, RPT)], p_out.at[c, pl.ds(base, RPT)])


def _mm_body(x_ref, w_ref, h_ref):
    h_ref[...] = jnp.dot(x_ref[...], w_ref[...], preferred_element_type=jnp.float32)


def _scale_body(h_ref, deg_ref, h2_ref):
    deg = deg_ref[0, :, 0] + deg_ref[1, :, 0]
    isd = lax.rsqrt(jnp.maximum(deg, 1.0))
    h2_ref[...] = h_ref[...] * isd[:, None]


def _final_body(p_ref, deg_ref, b_ref, o_ref):
    deg = deg_ref[0, :, 0] + deg_ref[1, :, 0]
    isd = lax.rsqrt(jnp.maximum(deg, 1.0))
    o_ref[...] = (p_ref[0] + p_ref[1]) * isd[:, None] + b_ref[...][None, :]


_BLK = 1000


@jax.jit
def _impl(x, edge_index, W, b):
    ei_p = jnp.concatenate([edge_index, _PAD], axis=1).reshape(2, TOTCH, CH)

    h = pl.pallas_call(
        _mm_body,
        grid=(N // _BLK,),
        in_specs=[
            pl.BlockSpec((_BLK, D), lambda i: (i, 0)),
            pl.BlockSpec((D, D), lambda i: (0, 0)),
        ],
        out_specs=pl.BlockSpec((_BLK, D), lambda i: (i, 0)),
        out_shape=jax.ShapeDtypeStruct((N, D), jnp.float32),
    )(x, W)

    deg16 = _deg_kernel(ei_p)

    h2 = pl.pallas_call(
        _scale_body,
        grid=(N // _BLK,),
        in_specs=[
            pl.BlockSpec((_BLK, D), lambda i: (i, 0)),
            pl.BlockSpec((NC, _BLK, D), lambda i: (0, i, 0)),
        ],
        out_specs=pl.BlockSpec((_BLK, D), lambda i: (i, 0)),
        out_shape=jax.ShapeDtypeStruct((N, D), jnp.float32),
    )(h, deg16)

    parts = _agg_kernel(h2, ei_p)

    out = pl.pallas_call(
        _final_body,
        grid=(N // _BLK,),
        in_specs=[
            pl.BlockSpec((NC, _BLK, D), lambda i: (0, i, 0)),
            pl.BlockSpec((NC, _BLK, D), lambda i: (0, i, 0)),
            pl.BlockSpec((D,), lambda i: (0,)),
        ],
        out_specs=pl.BlockSpec((_BLK, D), lambda i: (i, 0)),
        out_shape=jax.ShapeDtypeStruct((N, D), jnp.float32),
    )(parts, deg16, b)
    return out


def kernel(x, edge_index, W, b):
    return _impl(x, edge_index, W, b)

# --- scband reference (transcript-rebuilt; emitter-appended) ---
"""Pipeline reference for scband-gnnvirtual-node-fflayer-12850542149841 (READ-ONLY COPY).

The authoritative reference and input builder live on the scoring server;
editing this copy changes nothing except your own understanding.
"""

import jax, jax.numpy as jnp
import numpy as np

N = 10000
E = 320000
D = 128

def setup_inputs(seed: int = 0) -> dict:
    key = jax.random.key(seed)
    k1, k2, k3 = jax.random.split(key, 3)
    x = jax.random.normal(k1, (N, D), dtype=jnp.float32)
    edge_index = jax.random.randint(k2, (2, E), 0, N, dtype=jnp.int32)
    W = jax.random.normal(k3, (D, D), dtype=jnp.float32) / np.sqrt(D)
    b = jnp.zeros((D,), dtype=jnp.float32)
    return {"x": x, "edge_index": edge_index, "W": W, "b": b}

def reference(x, edge_index, W, b):
    # GNNVirtualNodeFFLayer.forward delegates to self.gnn_layer(x, edge_index).
    # The wrapped gnn_layer is a standard GCN-style convolution:
    # symmetric-normalized neighbor aggregation (gather -> scale -> scatter-add)
    # followed by a linear transform.
    src = edge_index[0]
    dst = edge_index[1]
    deg = jnp.zeros((N,), dtype=jnp.float32).at[dst].add(1.0)
    deg = jnp.maximum(deg, 1.0)
    inv_sqrt_deg = jax.lax.rsqrt(deg)
    norm = inv_sqrt_deg[src] * inv_sqrt_deg[dst]
    h = x @ W
    msg = h[src] * norm[:, None]
    out = jax.ops.segment_sum(msg, dst, num_segments=N) + b
    return out

if __name__ == "__main__":
    import jax
    _d = setup_inputs()
    print(jax.jit(kernel)(*tuple(_d.values())))

</pallas_src>

<mosaic_0001>
#map = affine_map<(d0, d1) -> (0, 0, 0)>
module attributes {stable_mosaic.version = 14 : i64} {
  func.func @_deg_kernel(%arg0: i32, %arg1: i32, %arg2: memref<2x2560x128xi32, #tpu.memory_space<hbm>>, %arg3: memref<2x10240x128xf32, #tpu.memory_space<hbm>>, %arg4: memref<80x128xi32, #tpu.memory_space<vmem>>, %arg5: memref<128x128xf32, #tpu.memory_space<vmem>>, %arg6: memref<1x128xi32, #tpu.memory_space<vmem>>, %arg7: memref<5x128xf32, #tpu.memory_space<vmem>>, %arg8: memref<640x128xf32, #tpu.memory_space<vmem>>, %arg9: memref<128x128xf32, #tpu.memory_space<vmem_shared>>) attributes {dimension_semantics = [#tpu.dimension_semantics<core_parallel>, #tpu.dimension_semantics<subcore_parallel>], iteration_bounds = array<i64: 2, 16>, scalar_prefetch = 0 : i64, scratch_operands = 6 : i64, tpu.core_type = #tpu.core_type<sc_vector_subcore>, window_params = [{transform_indices = #map}, {transform_indices = #map}]} {
    %mul3A = arith.constant 16 : i32
    %mul3A_0 = arith.muli %arg0, %mul3A : i32
    %add3A = arith.addi %mul3A_0, %arg1 : i32
    %mul3A_1 = arith.constant 640 : i32
    %mul3A_2 = arith.muli %arg1, %mul3A_1 : i32
    %scan3A = arith.constant 0 : i32
    %scan3A_3 = arith.constant 128 : i32
    %scan3A_4 = arith.addi %scan3A, %scan3A_3 : i32
    %scan3A_5 = arith.constant 1 : i32
    scf.for %scan3A_31 = %scan3A to %scan3A_4 step %scan3A_5  : i32 {
      %mul3A_32 = arith.constant 1 : i32
      %mul3A_33 = arith.muli %scan3A_31, %mul3A_32 : i32
      %add3A_34 = arith.constant 0 : i32
      %add3A_35 = arith.addi %add3A_34, %mul3A_33 : i32
      %scan3A_36 = arith.constant 0 : i32
      %scan3A_37 = arith.constant 8 : i32
      %scan3A_38 = arith.addi %scan3A_36, %scan3A_37 : i32
      %scan3A_39 = arith.constant 1 : i32
      scf.for %scan3A_41 = %scan3A_36 to %scan3A_38 step %scan3A_39  : i32 {
        %mul3A_42 = arith.constant 16 : i32
        %mul3A_43 = arith.muli %scan3A_41, %mul3A_42 : i32
        %add3A_44 = arith.constant 0 : i32
        %add3A_45 = arith.addi %add3A_44, %mul3A_43 : i32
        %broadcast_in_dim3A_46 = arith.constant 0.000000e+00 : f32
        %broadcast_in_dim3A_47 = vector.broadcast %broadcast_in_dim3A_46 : f32 to vector<16xf32>
        %swap3A = arith.index_cast %add3A_35 : i32 to index
        %swap3A_48 = arith.index_cast %add3A_45 : i32 to index
        %swap3A_49 = tpu.vector_load %arg5[%swap3A, %swap3A_48] {strides = array<i32>} : memref<128x128xf32, #tpu.memory_space<vmem>>, vector<16xf32>,
        tpu.vector_store %arg5[%swap3A, %swap3A_48], %broadcast_in_dim3A_47 {strides = array<i32>} : memref<128x128xf32, #tpu.memory_space<vmem>>, vector<16xf32>,
      }
      %scan3A_40 = arith.constant 8 : i32
    }
    %scan3A_6 = arith.constant 128 : i32
    %iota3A = tpu.iota {dimensions = array<i32: 0>} : vector<16xi32>
    %scan3A_7 = arith.constant 0 : i32
    %scan3A_8 = arith.constant 8 : i32
    %scan3A_9 = arith.addi %scan3A_7, %scan3A_8 : i32
    %scan3A_10 = arith.constant 1 : i32
    scf.for %scan3A_31 = %scan3A_7 to %scan3A_9 step %scan3A_10  : i32 {
      %mul3A_32 = arith.constant 16 : i32
      %mul3A_33 = arith.muli %scan3A_31, %mul3A_32 : i32
      %add3A_34 = arith.constant 0 : i32
      %add3A_35 = arith.addi %add3A_34, %mul3A_33 : i32
      %add3A_36 = vector.broadcast %add3A_35 : i32 to vector<16xi32>
      %add3A_37 = arith.addi %iota3A, %add3A_36 : vector<16xi32>
      %swap3A = arith.constant 0 : i32
      %swap3A_38 = arith.index_cast %swap3A : i32 to index
      %swap3A_39 = arith.index_cast %add3A_35 : i32 to index
      %swap3A_40 = tpu.vector_load %arg6[%swap3A_38, %swap3A_39] {strides = array<i32>} : memref<1x128xi32, #tpu.memory_space<vmem>>, vector<16xi32>,
      tpu.vector_store %arg6[%swap3A_38, %swap3A_39], %add3A_37 {strides = array<i32>} : memref<1x128xi32, #tpu.memory_space<vmem>>, vector<16xi32>,
    }
    %scan3A_11 = arith.constant 8 : i32
    %mul3A_12 = arith.constant 8 : i32
    %mul3A_13 = arith.muli %arg1, %mul3A_12 : i32
    "tpu.region"() ({
      %run_scoped3A_31 = tpu.sem_alloc : memref<!tpu.dma_semaphore, #tpu.memory_space<semaphore_mem>>
      %dma_start3A = arith.constant 0 : i32
      %dma_start3A_32 = arith.constant 0 : i32
      %dma_start3A_33 = tpu.memref_slice %arg5[%dma_start3A, %dma_start3A_32] : memref<128x128xf32, #tpu.memory_space<vmem>> -> memref<8x128xf32, #tpu.memory_space<vmem>>
      %dma_start3A_34 = arith.constant 0 : i32
      %dma_start3A_35 = tpu.memref_slice %arg9[%mul3A_13, %dma_start3A_34] : memref<128x128xf32, #tpu.memory_space<vmem_shared>> -> memref<8x128xf32, #tpu.memory_space<vmem_shared>>
      %dma_start3A_36 = arith.constant 0 : i32
      %dma_start3A_37 = tpu.memref_slice %arg9[%mul3A_13, %dma_start3A_36] : memref<128x128xf32, #tpu.memory_space<vmem_shared>> -> memref<8x128xf32, #tpu.memory_space<vmem_shared>>
      %dma_start3A_38 = arith.constant 0 : i32
      %dma_start3A_39 = arith.constant 0 : i32
      %dma_start3A_40 = tpu.memref_slice %arg5[%dma_start3A_38, %dma_start3A_39] : memref<128x128xf32, #tpu.memory_space<vmem>> -> memref<8x128xf32, #tpu.memory_space<vmem>>
      tpu.enqueue_dma source(%dma_start3A_40 : memref<8x128xf32, #tpu.memory_space<vmem>>) target(%dma_start3A_37 : memref<8x128xf32, #tpu.memory_space<vmem_shared>>) target_semaphore(%run_scoped3A_31 : memref<!tpu.dma_semaphore, #tpu.memory_space<semaphore_mem>>)
      %dma_wait3A = arith.constant 0 : i32
      %dma_wait3A_41 = arith.constant 0 : i32
      %dma_wait3A_42 = tpu.memref_slice %arg5[%dma_wait3A, %dma_wait3A_41] : memref<128x128xf32, #tpu.memory_space<vmem>> -> memref<8x128xf32, #tpu.memory_space<vmem>>
      %dma_wait3A_43 = arith.constant 0 : i32
      %dma_wait3A_44 = tpu.memref_slice %arg9[%mul3A_13, %dma_wait3A_43] : memref<128x128xf32, #tpu.memory_space<vmem_shared>> -> memref<8x128xf32, #tpu.memory_space<vmem_shared>>
      %dma_wait3A_45 = arith.constant 0 : i32
      %dma_wait3A_46 = tpu.memref_slice %arg9[%mul3A_13, %dma_wait3A_45] : memref<128x128xf32, #tpu.memory_space<vmem_shared>> -> memref<8x128xf32, #tpu.memory_space<vmem_shared>>
      %dma_wait3A_47 = arith.constant 0 : i32
      %dma_wait3A_48 = arith.constant 0 : i32
      %dma_wait3A_49 = tpu.memref_slice %arg5[%dma_wait3A_47, %dma_wait3A_48] : memref<128x128xf32, #tpu.memory_space<vmem>> -> memref<8x128xf32, #tpu.memory_space<vmem>>
      tpu.wait_dma2 semaphore(%run_scoped3A_31 : memref<!tpu.dma_semaphore, #tpu.memory_space<semaphore_mem>>) src(%dma_wait3A_49 : memref<8x128xf32, #tpu.memory_space<vmem>>) dst(%dma_wait3A_46 : memref<8x128xf32, #tpu.memory_space<vmem_shared>>)
      tpu.yield
    }) : () -> ()
    %mul3A_14 = arith.constant 80 : i32
    %mul3A_15 = arith.muli %add3A, %mul3A_14 : i32
    %run_scoped3A = arith.constant 1 : i32
    "tpu.region"() ({
      %run_scoped3A_31 = tpu.sem_alloc : memref<!tpu.dma_semaphore, #tpu.memory_space<semaphore_mem>>
      %dma_start3A = arith.constant 0 : i32
      %dma_start3A_32 = tpu.memref_slice %arg2[%run_scoped3A, %mul3A_15, %dma_start3A] : memref<2x2560x128xi32, #tpu.memory_space<hbm>> -> memref<1x80x128xi32, #tpu.memory_space<hbm>>
      %dma_start3A_33 = tpu.memref_squeeze %dma_start3A_32 : memref<1x80x128xi32, #tpu.memory_space<hbm>> -> memref<80x128xi32, #tpu.memory_space<hbm>>
      %dma_start3A_34 = arith.constant 0 : i32
      %dma_start3A_35 = tpu.memref_slice %arg2[%run_scoped3A, %mul3A_15, %dma_start3A_34] : memref<2x2560x128xi32, #tpu.memory_space<hbm>> -> memref<1x80x128xi32, #tpu.memory_space<hbm>>
      %dma_start3A_36 = tpu.memref_squeeze %dma_start3A_35 : memref<1x80x128xi32, #tpu.memory_space<hbm>> -> memref<80x128xi32, #tpu.memory_space<hbm>>
      tpu.enqueue_dma source(%dma_start3A_36 : memref<80x128xi32, #tpu.memory_space<hbm>>) target(%arg4 : memref<80x128xi32, #tpu.memory_space<vmem>>) target_semaphore(%run_scoped3A_31 : memref<!tpu.dma_semaphore, #tpu.memory_space<semaphore_mem>>)
      %dma_wait3A = arith.constant 0 : i32
      %dma_wait3A_37 = tpu.memref_slice %arg2[%run_scoped3A, %mul3A_15, %dma_wait3A] : memref<2x2560x128xi32, #tpu.memory_space<hbm>> -> memref<1x80x128xi32, #tpu.memory_space<hbm>>
      %dma_wait3A_38 = tpu.memref_squeeze %dma_wait3A_37 : memref<1x80x128xi32, #tpu.memory_space<hbm>> -> memref<80x128xi32, #tpu.memory_space<hbm>>
      %dma_wait3A_39 = arith.constant 0 : i32
      %dma_wait3A_40 = tpu.memref_slice %arg2[%run_scoped3A, %mul3A_15, %dma_wait3A_39] : memref<2x2560x128xi32, #tpu.memory_space<hbm>> -> memref<1x80x128xi32, #tpu.memory_space<hbm>>
      %dma_wait3A_41 = tpu.memref_squeeze %dma_wait3A_40 : memref<1x80x128xi32, #tpu.memory_space<hbm>> -> memref<80x128xi32, #tpu.memory_space<hbm>>
      tpu.wait_dma2 semaphore(%run_scoped3A_31 : memref<!tpu.dma_semaphore, #tpu.memory_space<semaphore_mem>>) src(%dma_wait3A_41 : memref<80x128xi32, #tpu.memory_space<hbm>>) dst(%arg4 : memref<80x128xi32, #tpu.memory_space<vmem>>)
      tpu.yield
    }) : () -> ()
    %broadcast_in_dim3A = arith.constant 1.000000e+00 : f32
    %broadcast_in_dim3A_16 = vector.broadcast %broadcast_in_dim3A : f32 to vector<16xf32>
    %scan3A_17 = arith.constant 0 : i32
    %scan3A_18 = arith.constant 80 : i32
    %scan3A_19 = arith.addi %scan3A_17, %scan3A_18 : i32
    %scan3A_20 = arith.constant 1 : i32
    scf.for %scan3A_31 = %scan3A_17 to %scan3A_19 step %scan3A_20  : i32 {
      %mul3A_32 = arith.constant 1 : i32
      %mul3A_33 = arith.muli %scan3A_31, %mul3A_32 : i32
      %add3A_34 = arith.constant 0 : i32
      %add3A_35 = arith.addi %add3A_34, %mul3A_33 : i32
      %scan3A_36 = arith.constant 0 : i32
      %scan3A_37 = arith.constant 8 : i32
      %scan3A_38 = arith.addi %scan3A_36, %scan3A_37 : i32
      %scan3A_39 = arith.constant 1 : i32
      scf.for %scan3A_41 = %scan3A_36 to %scan3A_38 step %scan3A_39  : i32 {
        %mul3A_42 = arith.constant 16 : i32
        %mul3A_43 = arith.muli %scan3A_41, %mul3A_42 : i32
        %add3A_44 = arith.constant 0 : i32
        %add3A_45 = arith.addi %add3A_44, %mul3A_43 : i32
        %get3A = arith.index_cast %add3A_35 : i32 to index
        %get3A_46 = arith.index_cast %add3A_45 : i32 to index
        %get3A_47 = tpu.vector_load %arg4[%get3A, %get3A_46] {strides = array<i32>} : memref<80x128xi32, #tpu.memory_space<vmem>>, vector<16xi32>,
        %shift_right_arithmetic3A = arith.constant 7 : i32
        %shift_right_arithmetic3A_48 = vector.broadcast %shift_right_arithmetic3A : i32 to vector<16xi32>
        %shift_right_arithmetic3A_49 = arith.shrsi %get3A_47, %shift_right_arithmetic3A_48 : vector<16xi32>
        %and3A = arith.constant 127 : i32
        %and3A_50 = vector.broadcast %and3A : i32 to vector<16xi32>
        %and3A_51 = arith.andi %get3A_47, %and3A_50 : vector<16xi32>
        tpu.vector_store_idx %arg5[%shift_right_arithmetic3A_49, %and3A_51], %broadcast_in_dim3A_16 {add = true} : memref<128x128xf32, #tpu.memory_space<vmem>>[vector<16xi32>, vector<16xi32>], vector<16xf32>,
      }
      %scan3A_40 = arith.constant 8 : i32
    }
    %scan3A_21 = arith.constant 80 : i32
    %barrier3A = arith.constant 0 : index
    tpu.barrier barrier_id(%barrier3A)
    %run_scoped3A_22 = arith.constant 0 : i32
    "tpu.region"() ({
      %run_scoped3A_31 = tpu.sem_alloc : memref<!tpu.dma_semaphore, #tpu.memory_space<semaphore_mem>>
      %dma_start3A = arith.constant 0 : i32
      %dma_start3A_32 = tpu.memref_slice %arg6[%run_scoped3A_22, %dma_start3A] : memref<1x128xi32, #tpu.memory_space<vmem>> -> memref<1x128xi32, #tpu.memory_space<vmem>>
      %dma_start3A_33 = tpu.memref_squeeze %dma_start3A_32 : memref<1x128xi32, #tpu.memory_space<vmem>> -> memref<128xi32, #tpu.memory_space<vmem>>
      %dma_start3A_34 = arith.constant 0 : i32
      %dma_start3A_35 = arith.constant 0 : i32
      %dma_start3A_36 = tpu.memref_slice %arg9[%dma_start3A_34, %dma_start3A_35] : memref<128x128xf32, #tpu.memory_space<vmem_shared>> -> memref<128x128xf32, #tpu.memory_space<vmem_shared>>
      tpu.enqueue_indirect_dma source(%arg5 : memref<128x128xf32, #tpu.memory_space<vmem>>) target(%dma_start3A_36 : memref<128x128xf32, #tpu.memory_space<vmem_shared>>) offsets(%dma_start3A_33 : memref<128xi32, #tpu.memory_space<vmem>>) semaphore(%run_scoped3A_31 : memref<!tpu.dma_semaphore, #tpu.memory_space<semaphore_mem>>) {add = true}
      %dma_wait3A = arith.constant 0 : i32
      %dma_wait3A_37 = tpu.memref_slice %arg6[%run_scoped3A_22, %dma_wait3A] : memref<1x128xi32, #tpu.memory_space<vmem>> -> memref<1x128xi32, #tpu.memory_space<vmem>>
      %dma_wait3A_38 = tpu.memref_squeeze %dma_wait3A_37 : memref<1x128xi32, #tpu.memory_space<vmem>> -> memref<128xi32, #tpu.memory_space<vmem>>
      %dma_wait3A_39 = arith.constant 0 : i32
      %dma_wait3A_40 = arith.constant 0 : i32
      %dma_wait3A_41 = tpu.memref_slice %arg9[%dma_wait3A_39, %dma_wait3A_40] : memref<128x128xf32, #tpu.memory_space<vmem_shared>> -> memref<128x128xf32, #tpu.memory_space<vmem_shared>>
      tpu.wait_indirect_dma semaphore(%run_scoped3A_31 : memref<!tpu.dma_semaphore, #tpu.memory_space<semaphore_mem>>) src(%arg5 : memref<128x128xf32, #tpu.memory_space<vmem>>) dst(%dma_wait3A_41 : memref<128x128xf32, #tpu.memory_space<vmem_shared>>)
      tpu.yield
    }) : () -> ()
    %barrier3A_23 = arith.constant 0 : index
    tpu.barrier barrier_id(%barrier3A_23)
    %mul3A_24 = arith.constant 5 : i32
    %mul3A_25 = arith.muli %arg1, %mul3A_24 : i32
    "tpu.region"() ({
      %run_scoped3A_31 = tpu.sem_alloc : memref<!tpu.dma_semaphore, #tpu.memory_space<semaphore_mem>>
      %dma_start3A = arith.constant 0 : i32
      %dma_start3A_32 = tpu.memref_slice %arg9[%mul3A_25, %dma_start3A] : memref<128x128xf32, #tpu.memory_space<vmem_shared>> -> memref<5x128xf32, #tpu.memory_space<vmem_shared>>
      %dma_start3A_33 = arith.constant 0 : i32
      %dma_start3A_34 = tpu.memref_slice %arg9[%mul3A_25, %dma_start3A_33] : memref<128x128xf32, #tpu.memory_space<vmem_shared>> -> memref<5x128xf32, #tpu.memory_space<vmem_shared>>
      tpu.enqueue_dma source(%dma_start3A_34 : memref<5x128xf32, #tpu.memory_space<vmem_shared>>) target(%arg7 : memref<5x128xf32, #tpu.memory_space<vmem>>) target_semaphore(%run_scoped3A_31 : memref<!tpu.dma_semaphore, #tpu.memory_space<semaphore_mem>>)
      %dma_wait3A = arith.constant 0 : i32
      %dma_wait3A_35 = tpu.memref_slice %arg9[%mul3A_25, %dma_wait3A] : memref<128x128xf32, #tpu.memory_space<vmem_shared>> -> memref<5x128xf32, #tpu.memory_space<vmem_shared>>
      %dma_wait3A_36 = arith.constant 0 : i32
      %dma_wait3A_37 = tpu.memref_slice %arg9[%mul3A_25, %dma_wait3A_36] : memref<128x128xf32, #tpu.memory_space<vmem_shared>> -> memref<5x128xf32, #tpu.memory_space<vmem_shared>>
      tpu.wait_dma2 semaphore(%run_scoped3A_31 : memref<!tpu.dma_semaphore, #tpu.memory_space<semaphore_mem>>) src(%dma_wait3A_37 : memref<5x128xf32, #tpu.memory_space<vmem_shared>>) dst(%arg7 : memref<5x128xf32, #tpu.memory_space<vmem>>)
      tpu.yield
    }) : () -> ()
    %scan3A_26 = arith.constant 0 : i32
    %scan3A_27 = arith.constant 40 : i32
    %scan3A_28 = arith.addi %scan3A_26, %scan3A_27 : i32
    %scan3A_29 = arith.constant 1 : i32
    scf.for %scan3A_31 = %scan3A_26 to %scan3A_28 step %scan3A_29  : i32 {
      %mul3A_32 = arith.constant 1 : i32
      %mul3A_33 = arith.muli %scan3A_31, %mul3A_32 : i32
      %add3A_34 = arith.constant 0 : i32
      %add3A_35 = arith.addi %add3A_34, %mul3A_33 : i32
      %shift_right_arithmetic3A = arith.constant 3 : i32
      %shift_right_arithmetic3A_36 = arith.shrsi %add3A_35, %shift_right_arithmetic3A : i32
      %and3A = arith.constant 7 : i32
      %and3A_37 = arith.andi %add3A_35, %and3A : i32
      %mul3A_38 = arith.constant 16 : i32
      %mul3A_39 = arith.muli %and3A_37, %mul3A_38 : i32
      %get3A = arith.index_cast %shift_right_arithmetic3A_36 : i32 to index
      %get3A_40 = arith.index_cast %mul3A_39 : i32 to index
      %get3A_41 = tpu.vector_load %arg7[%get3A, %get3A_40] {strides = array<i32>} : memref<5x128xf32, #tpu.memory_space<vmem>>, vector<16xf32>,
      %slice3A = vector.extract_strided_slice %get3A_41 {offsets = [0], sizes = [1], strides = [1]} : vector<16xf32> to vector<1xf32>
      %squeeze3A = vector.extract %slice3A[0] : f32 from vector<1xf32>
      %broadcast_in_dim3A_42 = vector.broadcast %squeeze3A : f32 to vector<16xf32>
      %mul3A_43 = arith.constant 16 : i32
      %mul3A_44 = arith.muli %add3A_35, %mul3A_43 : i32
      %add3A_45 = arith.constant 0 : i32
      %add3A_46 = arith.addi %mul3A_44, %add3A_45 : i32
      %swap3A = arith.index_cast %add3A_46 : i32 to index
      %swap3A_47 = arith.constant 0 : index
      %swap3A_48 = tpu.vector_load %arg8[%swap3A, %swap3A_47] {strides = array<i32>} : memref<640x128xf32, #tpu.memory_space<vmem>>, vector<16xf32>,
      tpu.vector_store %arg8[%swap3A, %swap3A_47], %broadcast_in_dim3A_42 {strides = array<i32>} : memref<640x128xf32, #tpu.memory_space<vmem>>, vector<16xf32>,
      %slice3A_49 = vector.extract_strided_slice %get3A_41 {offsets = [1], sizes = [1], strides = [1]} : vector<16xf32> to vector<1xf32>
      %squeeze3A_50 = vector.extract %slice3A_49[0] : f32 from vector<1xf32>
      %broadcast_in_dim3A_51 = vector.broadcast %squeeze3A_50 : f32 to vector<16xf32>
      %mul3A_52 = arith.constant 16 : i32
      %mul3A_53 = arith.muli %add3A_35, %mul3A_52 : i32
      %add3A_54 = arith.constant 1 : i32
      %add3A_55 = arith.addi %mul3A_53, %add3A_54 : i32
      %swap3A_56 = arith.index_cast %add3A_55 : i32 to index
      %swap3A_57 = arith.constant 0 : index
      %swap3A_58 = tpu.vector_load %arg8[%swap3A_56, %swap3A_57] {strides = array<i32>} : memref<640x128xf32, #tpu.memory_space<vmem>>, vector<16xf32>,
      tpu.vector_store %arg8[%swap3A_56, %swap3A_57], %broadcast_in_dim3A_51 {strides = array<i32>} : memref<640x128xf32, #tpu.memory_space<vmem>>, vector<16xf32>,
      %slice3A_59 = vector.extract_strided_slice %get3A_41 {offsets = [2], sizes = [1], strides = [1]} : vector<16xf32> to vector<1xf32>
      %squeeze3A_60 = vector.extract %slice3A_59[0] : f32 from vector<1xf32>
      %broadcast_in_dim3A_61 = vector.broadcast %squeeze3A_60 : f32 to vector<16xf32>
      %mul3A_62 = arith.constant 16 : i32
      %mul3A_63 = arith.muli %add3A_35, %mul3A_62 : i32
      %add3A_64 = arith.constant 2 : i32
      %add3A_65 = arith.addi %mul3A_63, %add3A_64 : i32
      %swap3A_66 = arith.index_cast %add3A_65 : i32 to index
      %swap3A_67 = arith.constant 0 : index
      %swap3A_68 = tpu.vector_load %arg8[%swap3A_66, %swap3A_67] {strides = array<i32>} : memref<640x128xf32, #tpu.memory_space<vmem>>, vector<16xf32>,
      tpu.vector_store %arg8[%swap3A_66, %swap3A_67], %broadcast_in_dim3A_61 {strides = array<i32>} : memref<640x128xf32, #tpu.memory_space<vmem>>, vector<16xf32>,
      %slice3A_69 = vector.extract_strided_slice %get3A_41 {offsets = [3], sizes = [1], strides = [1]} : vector<16xf32> to vector<1xf32>
      %squeeze3A_70 = vector.extract %slice3A_69[0] : f32 from vector<1xf32>
      %broadcast_in_dim3A_71 = vector.broadcast %squeeze3A_70 : f32 to vector<16xf32>
      %mul3A_72 = arith.constant 16 : i32
      %mul3A_73 = arith.muli %add3A_35, %mul3A_72 : i32
      %add3A_74 = arith.constant 3 : i32
      %add3A_75 = arith.addi %mul3A_73, %add3A_74 : i32
      %swap3A_76 = arith.index_cast %add3A_75 : i32 to index
      %swap3A_77 = arith.constant 0 : index
      %swap3A_78 = tpu.vector_load %arg8[%swap3A_76, %swap3A_77] {strides = array<i32>} : memref<640x128xf32, #tpu.memory_space<vmem>>, vector<16xf32>,
      tpu.vector_store %arg8[%swap3A_76, %swap3A_77], %broadcast_in_dim3A_71 {strides = array<i32>} : memref<640x128xf32, #tpu.memory_space<vmem>>, vector<16xf32>,
      %slice3A_79 = vector.extract_strided_slice %get3A_41 {offsets = [4], sizes = [1], strides = [1]} : vector<16xf32> to vector<1xf32>
      %squeeze3A_80 = vector.extract %slice3A_79[0] : f32 from vector<1xf32>
      %broadcast_in_dim3A_81 = vector.broadcast %squeeze3A_80 : f32 to vector<16xf32>
      %mul3A_82 = arith.constant 16 : i32
      %mul3A_83 = arith.muli %add3A_35, %mul3A_82 : i32
      %add3A_84 = arith.constant 4 : i32
      %add3A_85 = arith.addi %mul3A_83, %add3A_84 : i32
      %swap3A_86 = arith.index_cast %add3A_85 : i32 to index
      %swap3A_87 = arith.constant 0 : index
      %swap3A_88 = tpu.vector_load %arg8[%swap3A_86, %swap3A_87] {strides = array<i32>} : memref<640x128xf32, #tpu.memory_space<vmem>>, vector<16xf32>,
      tpu.vector_store %arg8[%swap3A_86, %swap3A_87], %broadcast_in_dim3A_81 {strides = array<i32>} : memref<640x128xf32, #tpu.memory_space<vmem>>, vector<16xf32>,
      %slice3A_89 = vector.extract_strided_slice %get3A_41 {offsets = [5], sizes = [1], strides = [1]} : vector<16xf32> to vector<1xf32>
      %squeeze3A_90 = vector.extract %slice3A_89[0] : f32 from vector<1xf32>
      %broadcast_in_dim3A_91 = vector.broadcast %squeeze3A_90 : f32 to vector<16xf32>
      %mul3A_92 = arith.constant 16 : i32
      %mul3A_93 = arith.muli %add3A_35, %mul3A_92 : i32
      %add3A_94 = arith.constant 5 : i32
      %add3A_95 = arith.addi %mul3A_93, %add3A_94 : i32
      %swap3A_96 = arith.index_cast %add3A_95 : i32 to index
      %swap3A_97 = arith.constant 0 : index
      %swap3A_98 = tpu.vector_load %arg8[%swap3A_96, %swap3A_97] {strides = array<i32>} : memref<640x128xf32, #tpu.memory_space<vmem>>, vector<16xf32>,
      tpu.vector_store %arg8[%swap3A_96, %swap3A_97], %broadcast_in_dim3A_91 {strides = array<i32>} : memref<640x128xf32, #tpu.memory_space<vmem>>, vector<16xf32>,
      %slice3A_99 = vector.extract_strided_slice %get3A_41 {offsets = [6], sizes = [1], strides = [1]} : vector<16xf32> to vector<1xf32>
      %squeeze3A_100 = vector.extract %slice3A_99[0] : f32 from vector<1xf32>
      %broadcast_in_dim3A_101 = vector.broadcast %squeeze3A_100 : f32 to vector<16xf32>
      %mul3A_102 = arith.constant 16 : i32
      %mul3A_103 = arith.muli %add3A_35, %mul3A_102 : i32
      %add3A_104 = arith.constant 6 : i32
      %add3A_105 = arith.addi %mul3A_103, %add3A_104 : i32
      %swap3A_106 = arith.index_cast %add3A_105 : i32 to index
      %swap3A_107 = arith.constant 0 : index
      %swap3A_108 = tpu.vector_load %arg8[%swap3A_106, %swap3A_107] {strides = array<i32>} : memref<640x128xf32, #tpu.memory_space<vmem>>, vector<16xf32>,
      tpu.vector_store %arg8[%swap3A_106, %swap3A_107], %broadcast_in_dim3A_101 {strides = array<i32>} : memref<640x128xf32, #tpu.memory_space<vmem>>, vector<16xf32>,
      %slice3A_109 = vector.extract_strided_slice %get3A_41 {offsets = [7], sizes = [1], strides = [1]} : vector<16xf32> to vector<1xf32>
      %squeeze3A_110 = vector.extract %slice3A_109[0] : f32 from vector<1xf32>
      %broadcast_in_dim3A_111 = vector.broadcast %squeeze3A_110 : f32 to vector<16xf32>
      %mul3A_112 = arith.constant 16 : i32
      %mul3A_113 = arith.muli %add3A_35, %mul3A_112 : i32
      %add3A_114 = arith.constant 7 : i32
      %add3A_115 = arith.addi %mul3A_113, %add3A_114 : i32
      %swap3A_116 = arith.index_cast %add3A_115 : i32 to index
      %swap3A_117 = arith.constant 0 : index
      %swap3A_118 = tpu.vector_load %arg8[%swap3A_116, %swap3A_117] {strides = array<i32>} : memref<640x128xf32, #tpu.memory_space<vmem>>, vector<16xf32>,
      tpu.vector_store %arg8[%swap3A_116, %swap3A_117], %broadcast_in_dim3A_111 {strides = array<i32>} : memref<640x128xf32, #tpu.memory_space<vmem>>, vector<16xf32>,
      %slice3A_119 = vector.extract_strided_slice %get3A_41 {offsets = [8], sizes = [1], strides = [1]} : vector<16xf32> to vector<1xf32>
      %squeeze3A_120 = vector.extract %slice3A_119[0] : f32 from vector<1xf32>
      %broadcast_in_dim3A_121 = vector.broadcast %squeeze3A_120 : f32 to vector<16xf32>
      %mul3A_122 = arith.constant 16 : i32
      %mul3A_123 = arith.muli %add3A_35, %mul3A_122 : i32
      %add3A_124 = arith.constant 8 : i32
      %add3A_125 = arith.addi %mul3A_123, %add3A_124 : i32
      %swap3A_126 = arith.index_cast %add3A_125 : i32 to index
      %swap3A_127 = arith.constant 0 : index
      %swap3A_128 = tpu.vector_load %arg8[%swap3A_126, %swap3A_127] {strides = array<i32>} : memref<640x128xf32, #tpu.memory_space<vmem>>, vector<16xf32>,
      tpu.vector_store %arg8[%swap3A_126, %swap3A_127], %broadcast_in_dim3A_121 {strides = array<i32>} : memref<640x128xf32, #tpu.memory_space<vmem>>, vector<16xf32>,
      %slice3A_129 = vector.extract_strided_slice %get3A_41 {offsets = [9], sizes = [1], strides = [1]} : vector<16xf32> to vector<1xf32>
      %squeeze3A_130 = vector.extract %slice3A_129[0] : f32 from vector<1xf32>
      %broadcast_in_dim3A_131 = vector.broadcast %squeeze3A_130 : f32 to vector<16xf32>
      %mul3A_132 = arith.constant 16 : i32
      %mul3A_133 = arith.muli %add3A_35, %mul3A_132 : i32
      %add3A_134 = arith.constant 9 : i32
      %add3A_135 = arith.addi %mul3A_133, %add3A_134 : i32
      %swap3A_136 = arith.index_cast %add3A_135 : i32 to index
      %swap3A_137 = arith.constant 0 : index
      %swap3A_138 = tpu.vector_load %arg8[%swap3A_136, %swap3A_137] {strides = array<i32>} : memref<640x128xf32, #tpu.memory_space<vmem>>, vector<16xf32>,
      tpu.vector_store %arg8[%swap3A_136, %swap3A_137], %broadcast_in_dim3A_131 {strides = array<i32>} : memref<640x128xf32, #tpu.memory_space<vmem>>, vector<16xf32>,
      %slice3A_139 = vector.extract_strided_slice %get3A_41 {offsets = [10], sizes = [1], strides = [1]} : vector<16xf32> to vector<1xf32>
      %squeeze3A_140 = vector.extract %slice3A_139[0] : f32 from vector<1xf32>
      %broadcast_in_dim3A_141 = vector.broadcast %squeeze3A_140 : f32 to vector<16xf32>
      %mul3A_142 = arith.constant 16 : i32
      %mul3A_143 = arith.muli %add3A_35, %mul3A_142 : i32
      %add3A_144 = arith.constant 10 : i32
      %add3A_145 = arith.addi %mul3A_143, %add3A_144 : i32
      %swap3A_146 = arith.index_cast %add3A_145 : i32 to index
      %swap3A_147 = arith.constant 0 : index
      %swap3A_148 = tpu.vector_load %arg8[%swap3A_146, %swap3A_147] {strides = array<i32>} : memref<640x128xf32, #tpu.memory_space<vmem>>, vector<16xf32>,
      tpu.vector_store %arg8[%swap3A_146, %swap3A_147], %broadcast_in_dim3A_141 {strides = array<i32>} : memref<640x128xf32, #tpu.memory_space<vmem>>, vector<16xf32>,
      %slice3A_149 = vector.extract_strided_slice %get3A_41 {offsets = [11], sizes = [1], strides = [1]} : vector<16xf32> to vector<1xf32>
      %squeeze3A_150 = vector.extract %slice3A_149[0] : f32 from vector<1xf32>
      %broadcast_in_dim3A_151 = vector.broadcast %squeeze3A_150 : f32 to vector<16xf32>
      %mul3A_152 = arith.constant 16 : i32
      %mul3A_153 = arith.muli %add3A_35, %mul3A_152 : i32
      %add3A_154 = arith.constant 11 : i32
      %add3A_155 = arith.addi %mul3A_153, %add3A_154 : i32
      %swap3A_156 = arith.index_cast %add3A_155 : i32 to index
      %swap3A_157 = arith.constant 0 : index
      %swap3A_158 = tpu.vector_load %arg8[%swap3A_156, %swap3A_157] {strides = array<i32>} : memref<640x128xf32, #tpu.memory_space<vmem>>, vector<16xf32>,
      tpu.vector_store %arg8[%swap3A_156, %swap3A_157], %broadcast_in_dim3A_151 {strides = array<i32>} : memref<640x128xf32, #tpu.memory_space<vmem>>, vector<16xf32>,
      %slice3A_159 = vector.extract_strided_slice %get3A_41 {offsets = [12], sizes = [1], strides = [1]} : vector<16xf32> to vector<1xf32>
      %squeeze3A_160 = vector.extract %slice3A_159[0] : f32 from vector<1xf32>
      %broadcast_in_dim3A_161 = vector.broadcast %squeeze3A_160 : f32 to vector<16xf32>
      %mul3A_162 = arith.constant 16 : i32
      %mul3A_163 = arith.muli %add3A_35, %mul3A_162 : i32
      %add3A_164 = arith.constant 12 : i32
      %add3A_165 = arith.addi %mul3A_163, %add3A_164 : i32
      %swap3A_166 = arith.index_cast %add3A_165 : i32 to index
      %swap3A_167 = arith.constant 0 : index
      %swap3A_168 = tpu.vector_load %arg8[%swap3A_166, %swap3A_167] {strides = array<i32>} : memref<640x128xf32, #tpu.memory_space<vmem>>, vector<16xf32>,
      tpu.vector_store %arg8[%swap3A_166, %swap3A_167], %broadcast_in_dim3A_161 {strides = array<i32>} : memref<640x128xf32, #tpu.memory_space<vmem>>, vector<16xf32>,
      %slice3A_169 = vector.extract_strided_slice %get3A_41 {offsets = [13], sizes = [1], strides = [1]} : vector<16xf32> to vector<1xf32>
      %squeeze3A_170 = vector.extract %slice3A_169[0] : f32 from vector<1xf32>
      %broadcast_in_dim3A_171 = vector.broadcast %squeeze3A_170 : f32 to vector<16xf32>
      %mul3A_172 = arith.constant 16 : i32
      %mul3A_173 = arith.muli %add3A_35, %mul3A_172 : i32
      %add3A_174 = arith.constant 13 : i32
      %add3A_175 = arith.addi %mul3A_173, %add3A_174 : i32
      %swap3A_176 = arith.index_cast %add3A_175 : i32 to index
      %swap3A_177 = arith.constant 0 : index
      %swap3A_178 = tpu.vector_load %arg8[%swap3A_176, %swap3A_177] {strides = array<i32>} : memref<640x128xf32, #tpu.memory_space<vmem>>, vector<16xf32>,
      tpu.vector_store %arg8[%swap3A_176, %swap3A_177], %broadcast_in_dim3A_171 {strides = array<i32>} : memref<640x128xf32, #tpu.memory_space<vmem>>, vector<16xf32>,
      %slice3A_179 = vector.extract_strided_slice %get3A_41 {offsets = [14], sizes = [1], strides = [1]} : vector<16xf32> to vector<1xf32>
      %squeeze3A_180 = vector.extract %slice3A_179[0] : f32 from vector<1xf32>
      %broadcast_in_dim3A_181 = vector.broadcast %squeeze3A_180 : f32 to vector<16xf32>
      %mul3A_182 = arith.constant 16 : i32
      %mul3A_183 = arith.muli %add3A_35, %mul3A_182 : i32
      %add3A_184 = arith.constant 14 : i32
      %add3A_185 = arith.addi %mul3A_183, %add3A_184 : i32
      %swap3A_186 = arith.index_cast %add3A_185 : i32 to index
      %swap3A_187 = arith.constant 0 : index
      %swap3A_188 = tpu.vector_load %arg8[%swap3A_186, %swap3A_187] {strides = array<i32>} : memref<640x128xf32, #tpu.memory_space<vmem>>, vector<16xf32>,
      tpu.vector_store %arg8[%swap3A_186, %swap3A_187], %broadcast_in_dim3A_181 {strides = array<i32>} : memref<640x128xf32, #tpu.memory_space<vmem>>, vector<16xf32>,
      %slice3A_189 = vector.extract_strided_slice %get3A_41 {offsets = [15], sizes = [1], strides = [1]} : vector<16xf32> to vector<1xf32>
      %squeeze3A_190 = vector.extract %slice3A_189[0] : f32 from vector<1xf32>
      %broadcast_in_dim3A_191 = vector.broadcast %squeeze3A_190 : f32 to vector<16xf32>
      %mul3A_192 = arith.constant 16 : i32
      %mul3A_193 = arith.muli %add3A_35, %mul3A_192 : i32
      %add3A_194 = arith.constant 15 : i32
      %add3A_195 = arith.addi %mul3A_193, %add3A_194 : i32
      %swap3A_196 = arith.index_cast %add3A_195 : i32 to index
      %swap3A_197 = arith.constant 0 : index
      %swap3A_198 = tpu.vector_load %arg8[%swap3A_196, %swap3A_197] {strides = array<i32>} : memref<640x128xf32, #tpu.memory_space<vmem>>, vector<16xf32>,
      tpu.vector_store %arg8[%swap3A_196, %swap3A_197], %broadcast_in_dim3A_191 {strides = array<i32>} : memref<640x128xf32, #tpu.memory_space<vmem>>, vector<16xf32>,
    }
    %scan3A_30 = arith.constant 40 : i32
    "tpu.region"() ({
      %run_scoped3A_31 = tpu.sem_alloc : memref<!tpu.dma_semaphore, #tpu.memory_space<semaphore_mem>>
      %dma_start3A = arith.constant 0 : i32
      %dma_start3A_32 = tpu.memref_slice %arg3[%arg0, %mul3A_2, %dma_start3A] : memref<2x10240x128xf32, #tpu.memory_space<hbm>> -> memref<1x640x128xf32, #tpu.memory_space<hbm>>
      %dma_start3A_33 = tpu.memref_squeeze %dma_start3A_32 : memref<1x640x128xf32, #tpu.memory_space<hbm>> -> memref<640x128xf32, #tpu.memory_space<hbm>>
      %dma_start3A_34 = arith.constant 0 : i32
      %dma_start3A_35 = tpu.memref_slice %arg3[%arg0, %mul3A_2, %dma_start3A_34] : memref<2x10240x128xf32, #tpu.memory_space<hbm>> -> memref<1x640x128xf32, #tpu.memory_space<hbm>>
      %dma_start3A_36 = tpu.memref_squeeze %dma_start3A_35 : memref<1x640x128xf32, #tpu.memory_space<hbm>> -> memref<640x128xf32, #tpu.memory_space<hbm>>
      tpu.enqueue_dma source(%arg8 : memref<640x128xf32, #tpu.memory_space<vmem>>) target(%dma_start3A_36 : memref<640x128xf32, #tpu.memory_space<hbm>>) target_semaphore(%run_scoped3A_31 : memref<!tpu.dma_semaphore, #tpu.memory_space<semaphore_mem>>)
      %dma_wait3A = arith.constant 0 : i32
      %dma_wait3A_37 = tpu.memref_slice %arg3[%arg0, %mul3A_2, %dma_wait3A] : memref<2x10240x128xf32, #tpu.memory_space<hbm>> -> memref<1x640x128xf32, #tpu.memory_space<hbm>>
      %dma_wait3A_38 = tpu.memref_squeeze %dma_wait3A_37 : memref<1x640x128xf32, #tpu.memory_space<hbm>> -> memref<640x128xf32, #tpu.memory_space<hbm>>
      %dma_wait3A_39 = arith.constant 0 : i32
      %dma_wait3A_40 = tpu.memref_slice %arg3[%arg0, %mul3A_2, %dma_wait3A_39] : memref<2x10240x128xf32, #tpu.memory_space<hbm>> -> memref<1x640x128xf32, #tpu.memory_space<hbm>>
      %dma_wait3A_41 = tpu.memref_squeeze %dma_wait3A_40 : memref<1x640x128xf32, #tpu.memory_space<hbm>> -> memref<640x128xf32, #tpu.memory_space<hbm>>
      tpu.wait_dma2 semaphore(%run_scoped3A_31 : memref<!tpu.dma_semaphore, #tpu.memory_space<semaphore_mem>>) src(%arg8 : memref<640x128xf32, #tpu.memory_space<vmem>>) dst(%dma_wait3A_41 : memref<640x128xf32, #tpu.memory_space<hbm>>)
      tpu.yield
    }) : () -> ()
    return
  }
}

#map = affine_map<(d0, d1) -> (0, 0)>
#map1 = affine_map<(d0, d1) -> (0, 0, 0)>
module attributes {stable_mosaic.version = 14 : i64} {
  func.func @_agg_kernel(%arg0: i32, %arg1: i32, %arg2: memref<10000x128xf32, #tpu.memory_space<hbm>>, %arg3: memref<2x2560x128xi32, #tpu.memory_space<hbm>>, %arg4: memref<2x10240x128xf32, #tpu.memory_space<hbm>>, %arg5: memref<40x128xi32, #tpu.memory_space<vmem>>, %arg6: memref<40x128xi32, #tpu.memory_space<vmem>>, %arg7: memref<128x128xf32, #tpu.memory_space<vmem>>, %arg8: memref<128x128xf32, #tpu.memory_space<vmem>>, %arg9: memref<!tpu.dma_semaphore, #tpu.memory_space<semaphore_mem>>, %arg10: memref<!tpu.dma_semaphore, #tpu.memory_space<semaphore_mem>>, %arg11: memref<!tpu.dma_semaphore, #tpu.memory_space<semaphore_mem>>, %arg12: memref<!tpu.dma_semaphore, #tpu.memory_space<semaphore_mem>>, %arg13: memref<10240x128xf32, #tpu.memory_space<vmem_shared>>) attributes {dimension_semantics = [#tpu.dimension_semantics<core_parallel>, #tpu.dimension_semantics<subcore_parallel>], iteration_bounds = array<i64: 2, 16>, scalar_prefetch = 0 : i64, scratch_operands = 9 : i64, tpu.core_type = #tpu.core_type<sc_vector_subcore>, window_params = [{transform_indices = #map}, {transform_indices = #map1}, {transform_indices = #map1}]} {
    %mul3A = arith.constant 16 : i32
    %mul3A_0 = arith.muli %arg0, %mul3A : i32
    %add3A = arith.addi %mul3A_0, %arg1 : i32
    %mul3A_1 = arith.constant 640 : i32
    %mul3A_2 = arith.muli %arg1, %mul3A_1 : i32
    %scan3A = arith.constant 0 : i32
    %scan3A_3 = arith.constant 128 : i32
    %scan3A_4 = arith.addi %scan3A, %scan3A_3 : i32
    %scan3A_5 = arith.constant 1 : i32
    scf.for %scan3A_88 = %scan3A to %scan3A_4 step %scan3A_5  : i32 {
      %mul3A_89 = arith.constant 1 : i32
      %mul3A_90 = arith.muli %scan3A_88, %mul3A_89 : i32
      %add3A_91 = arith.constant 0 : i32
      %add3A_92 = arith.addi %add3A_91, %mul3A_90 : i32
      %scan3A_93 = arith.constant 0 : i32
      %scan3A_94 = arith.constant 8 : i32
      %scan3A_95 = arith.addi %scan3A_93, %scan3A_94 : i32
      %scan3A_96 = arith.constant 1 : i32
      scf.for %scan3A_98 = %scan3A_93 to %scan3A_95 step %scan3A_96  : i32 {
        %mul3A_99 = arith.constant 16 : i32
        %mul3A_100 = arith.muli %scan3A_98, %mul3A_99 : i32
        %add3A_101 = arith.constant 0 : i32
        %add3A_102 = arith.addi %add3A_101, %mul3A_100 : i32
        %broadcast_in_dim3A = arith.constant 0.000000e+00 : f32
        %broadcast_in_dim3A_103 = vector.broadcast %broadcast_in_dim3A : f32 to vector<16xf32>
        %swap3A = arith.index_cast %add3A_92 : i32 to index
        %swap3A_104 = arith.index_cast %add3A_102 : i32 to index
        %swap3A_105 = tpu.vector_load %arg7[%swap3A, %swap3A_104] {strides = array<i32>} : memref<128x128xf32, #tpu.memory_space<vmem>>, vector<16xf32>,
        tpu.vector_store %arg7[%swap3A, %swap3A_104], %broadcast_in_dim3A_103 {strides = array<i32>} : memref<128x128xf32, #tpu.memory_space<vmem>>, vector<16xf32>,
      }
      %scan3A_97 = arith.constant 8 : i32
    }
    %scan3A_6 = arith.constant 128 : i32
    %scan3A_7 = arith.constant 0 : i32
    %scan3A_8 = arith.constant 5 : i32
    %scan3A_9 = arith.addi %scan3A_7, %scan3A_8 : i32
    %scan3A_10 = arith.constant 1 : i32
    scf.for %scan3A_88 = %scan3A_7 to %scan3A_9 step %scan3A_10  : i32 {
      %mul3A_89 = arith.constant 1 : i32
      %mul3A_90 = arith.muli %scan3A_88, %mul3A_89 : i32
      %add3A_91 = arith.constant 0 : i32
      %add3A_92 = arith.addi %add3A_91, %mul3A_90 : i32
      %mul3A_93 = arith.constant 128 : i32
      %mul3A_94 = arith.muli %add3A_92, %mul3A_93 : i32
      %add3A_95 = arith.addi %mul3A_2, %mul3A_94 : i32
      "tpu.region"() ({
        %run_scoped3A_96 = tpu.sem_alloc : memref<!tpu.dma_semaphore, #tpu.memory_space<semaphore_mem>>
        %dma_start3A_97 = arith.constant 0 : i32
        %dma_start3A_98 = tpu.memref_slice %arg13[%add3A_95, %dma_start3A_97] : memref<10240x128xf32, #tpu.memory_space<vmem_shared>> -> memref<128x128xf32, #tpu.memory_space<vmem_shared>>
        %dma_start3A_99 = arith.constant 0 : i32
        %dma_start3A_100 = tpu.memref_slice %arg13[%add3A_95, %dma_start3A_99] : memref<10240x128xf32, #tpu.memory_space<vmem_shared>> -> memref<128x128xf32, #tpu.memory_space<vmem_shared>>
        tpu.enqueue_dma source(%arg7 : memref<128x128xf32, #tpu.memory_space<vmem>>) target(%dma_start3A_100 : memref<128x128xf32, #tpu.memory_space<vmem_shared>>) target_semaphore(%run_scoped3A_96 : memref<!tpu.dma_semaphore, #tpu.memory_space<semaphore_mem>>)
        %dma_wait3A_101 = arith.constant 0 : i32
        %dma_wait3A_102 = tpu.memref_slice %arg13[%add3A_95, %dma_wait3A_101] : memref<10240x128xf32, #tpu.memory_space<vmem_shared>> -> memref<128x128xf32, #tpu.memory_space<vmem_shared>>
        %dma_wait3A_103 = arith.constant 0 : i32
        %dma_wait3A_104 = tpu.memref_slice %arg13[%add3A_95, %dma_wait3A_103] : memref<10240x128xf32, #tpu.memory_space<vmem_shared>> -> memref<128x128xf32, #tpu.memory_space<vmem_shared>>
        tpu.wait_dma2 semaphore(%run_scoped3A_96 : memref<!tpu.dma_semaphore, #tpu.memory_space<semaphore_mem>>) src(%arg7 : memref<128x128xf32, #tpu.memory_space<vmem>>) dst(%dma_wait3A_104 : memref<128x128xf32, #tpu.memory_space<vmem_shared>>)
        tpu.yield
      }) : () -> ()
    }
    %scan3A_11 = arith.constant 5 : i32
    %barrier3A = arith.constant 0 : index
    tpu.barrier barrier_id(%barrier3A)
    %mul3A_12 = arith.constant 80 : i32
    %mul3A_13 = arith.muli %add3A, %mul3A_12 : i32
    %add3A_14 = arith.constant 0 : i32
    %add3A_15 = arith.addi %mul3A_13, %add3A_14 : i32
    %run_scoped3A = arith.constant 0 : i32
    "tpu.region"() ({
      %run_scoped3A_88 = tpu.sem_alloc : memref<!tpu.dma_semaphore, #tpu.memory_space<semaphore_mem>>
      %dma_start3A_89 = arith.constant 0 : i32
      %dma_start3A_90 = arith.constant 0 : i32
      %dma_start3A_91 = tpu.memref_slice %arg5[%dma_start3A_89, %dma_start3A_90] : memref<40x128xi32, #tpu.memory_space<vmem>> -> memref<40x128xi32, #tpu.memory_space<vmem>>
      %dma_start3A_92 = arith.constant 0 : i32
      %dma_start3A_93 = tpu.memref_slice %arg3[%run_scoped3A, %add3A_15, %dma_start3A_92] : memref<2x2560x128xi32, #tpu.memory_space<hbm>> -> memref<1x40x128xi32, #tpu.memory_space<hbm>>
      %dma_start3A_94 = tpu.memref_squeeze %dma_start3A_93 : memref<1x40x128xi32, #tpu.memory_space<hbm>> -> memref<40x128xi32, #tpu.memory_space<hbm>>
      %dma_start3A_95 = arith.constant 0 : i32
      %dma_start3A_96 = arith.constant 0 : i32
      %dma_start3A_97 = tpu.memref_slice %arg5[%dma_start3A_95, %dma_start3A_96] : memref<40x128xi32, #tpu.memory_space<vmem>> -> memref<40x128xi32, #tpu.memory_space<vmem>>
      %dma_start3A_98 = arith.constant 0 : i32
      %dma_start3A_99 = tpu.memref_slice %arg3[%run_scoped3A, %add3A_15, %dma_start3A_98] : memref<2x2560x128xi32, #tpu.memory_space<hbm>> -> memref<1x40x128xi32, #tpu.memory_space<hbm>>
      %dma_start3A_100 = tpu.memref_squeeze %dma_start3A_99 : memref<1x40x128xi32, #tpu.memory_space<hbm>> -> memref<40x128xi32, #tpu.memory_space<hbm>>
      tpu.enqueue_dma source(%dma_start3A_100 : memref<40x128xi32, #tpu.memory_space<hbm>>) target(%dma_start3A_97 : memref<40x128xi32, #tpu.memory_space<vmem>>) target_semaphore(%run_scoped3A_88 : memref<!tpu.dma_semaphore, #tpu.memory_space<semaphore_mem>>)
      %dma_wait3A_101 = arith.constant 0 : i32
      %dma_wait3A_102 = arith.constant 0 : i32
      %dma_wait3A_103 = tpu.memref_slice %arg5[%dma_wait3A_101, %dma_wait3A_102] : memref<40x128xi32, #tpu.memory_space<vmem>> -> memref<40x128xi32, #tpu.memory_space<vmem>>
      %dma_wait3A_104 = arith.constant 0 : i32
      %dma_wait3A_105 = tpu.memref_slice %arg3[%run_scoped3A, %add3A_15, %dma_wait3A_104] : memref<2x2560x128xi32, #tpu.memory_space<hbm>> -> memref<1x40x128xi32, #tpu.memory_space<hbm>>
      %dma_wait3A_106 = tpu.memref_squeeze %dma_wait3A_105 : memref<1x40x128xi32, #tpu.memory_space<hbm>> -> memref<40x128xi32, #tpu.memory_space<hbm>>
      %dma_wait3A_107 = arith.constant 0 : i32
      %dma_wait3A_108 = arith.constant 0 : i32
      %dma_wait3A_109 = tpu.memref_slice %arg5[%dma_wait3A_107, %dma_wait3A_108] : memref<40x128xi32, #tpu.memory_space<vmem>> -> memref<40x128xi32, #tpu.memory_space<vmem>>
      %dma_wait3A_110 = arith.constant 0 : i32
      %dma_wait3A_111 = tpu.memref_slice %arg3[%run_scoped3A, %add3A_15, %dma_wait3A_110] : memref<2x2560x128xi32, #tpu.memory_space<hbm>> -> memref<1x40x128xi32, #tpu.memory_space<hbm>>
      %dma_wait3A_112 = tpu.memref_squeeze %dma_wait3A_111 : memref<1x40x128xi32, #tpu.memory_space<hbm>> -> memref<40x128xi32, #tpu.memory_space<hbm>>
      tpu.wait_dma2 semaphore(%run_scoped3A_88 : memref<!tpu.dma_semaphore, #tpu.memory_space<semaphore_mem>>) src(%dma_wait3A_112 : memref<40x128xi32, #tpu.memory_space<hbm>>) dst(%dma_wait3A_109 : memref<40x128xi32, #tpu.memory_space<vmem>>)
      tpu.yield
    }) : () -> ()
    %run_scoped3A_16 = arith.constant 1 : i32
    "tpu.region"() ({
      %run_scoped3A_88 = tpu.sem_alloc : memref<!tpu.dma_semaphore, #tpu.memory_space<semaphore_mem>>
      %dma_start3A_89 = arith.constant 0 : i32
      %dma_start3A_90 = arith.constant 0 : i32
      %dma_start3A_91 = tpu.memref_slice %arg6[%dma_start3A_89, %dma_start3A_90] : memref<40x128xi32, #tpu.memory_space<vmem>> -> memref<40x128xi32, #tpu.memory_space<vmem>>
      %dma_start3A_92 = arith.constant 0 : i32
      %dma_start3A_93 = tpu.memref_slice %arg3[%run_scoped3A_16, %add3A_15, %dma_start3A_92] : memref<2x2560x128xi32, #tpu.memory_space<hbm>> -> memref<1x40x128xi32, #tpu.memory_space<hbm>>
      %dma_start3A_94 = tpu.memref_squeeze %dma_start3A_93 : memref<1x40x128xi32, #tpu.memory_space<hbm>> -> memref<40x128xi32, #tpu.memory_space<hbm>>
      %dma_start3A_95 = arith.constant 0 : i32
      %dma_start3A_96 = arith.constant 0 : i32
      %dma_start3A_97 = tpu.memref_slice %arg6[%dma_start3A_95, %dma_start3A_96] : memref<40x128xi32, #tpu.memory_space<vmem>> -> memref<40x128xi32, #tpu.memory_space<vmem>>
      %dma_start3A_98 = arith.constant 0 : i32
      %dma_start3A_99 = tpu.memref_slice %arg3[%run_scoped3A_16, %add3A_15, %dma_start3A_98] : memref<2x2560x128xi32, #tpu.memory_space<hbm>> -> memref<1x40x128xi32, #tpu.memory_space<hbm>>
      %dma_start3A_100 = tpu.memref_squeeze %dma_start3A_99 : memref<1x40x128xi32, #tpu.memory_space<hbm>> -> memref<40x128xi32, #tpu.memory_space<hbm>>
      tpu.enqueue_dma source(%dma_start3A_100 : memref<40x128xi32, #tpu.memory_space<hbm>>) target(%dma_start3A_97 : memref<40x128xi32, #tpu.memory_space<vmem>>) target_semaphore(%run_scoped3A_88 : memref<!tpu.dma_semaphore, #tpu.memory_space<semaphore_mem>>)
      %dma_wait3A_101 = arith.constant 0 : i32
      %dma_wait3A_102 = arith.constant 0 : i32
      %dma_wait3A_103 = tpu.memref_slice %arg6[%dma_wait3A_101, %dma_wait3A_102] : memref<40x128xi32, #tpu.memory_space<vmem>> -> memref<40x128xi32, #tpu.memory_space<vmem>>
      %dma_wait3A_104 = arith.constant 0 : i32
      %dma_wait3A_105 = tpu.memref_slice %arg3[%run_scoped3A_16, %add3A_15, %dma_wait3A_104] : memref<2x2560x128xi32, #tpu.memory_space<hbm>> -> memref<1x40x128xi32, #tpu.memory_space<hbm>>
      %dma_wait3A_106 = tpu.memref_squeeze %dma_wait3A_105 : memref<1x40x128xi32, #tpu.memory_space<hbm>> -> memref<40x128xi32, #tpu.memory_space<hbm>>
      %dma_wait3A_107 = arith.constant 0 : i32
      %dma_wait3A_108 = arith.constant 0 : i32
      %dma_wait3A_109 = tpu.memref_slice %arg6[%dma_wait3A_107, %dma_wait3A_108] : memref<40x128xi32, #tpu.memory_space<vmem>> -> memref<40x128xi32, #tpu.memory_space<vmem>>
      %dma_wait3A_110 = arith.constant 0 : i32
      %dma_wait3A_111 = tpu.memref_slice %arg3[%run_scoped3A_16, %add3A_15, %dma_wait3A_110] : memref<2x2560x128xi32, #tpu.memory_space<hbm>> -> memref<1x40x128xi32, #tpu.memory_space<hbm>>
      %dma_wait3A_112 = tpu.memref_squeeze %dma_wait3A_111 : memref<1x40x128xi32, #tpu.memory_space<hbm>> -> memref<40x128xi32, #tpu.memory_space<hbm>>
      tpu.wait_dma2 semaphore(%run_scoped3A_88 : memref<!tpu.dma_semaphore, #tpu.memory_space<semaphore_mem>>) src(%dma_wait3A_112 : memref<40x128xi32, #tpu.memory_space<hbm>>) dst(%dma_wait3A_109 : memref<40x128xi32, #tpu.memory_space<vmem>>)
      tpu.yield
    }) : () -> ()
    %dma_start3A = arith.constant 0 : i32
    %dma_start3A_17 = arith.constant 0 : i32
    %dma_start3A_18 = tpu.memref_slice %arg5[%dma_start3A, %dma_start3A_17] : memref<40x128xi32, #tpu.memory_space<vmem>> -> memref<1x128xi32, #tpu.memory_space<vmem>>
    %dma_start3A_19 = tpu.memref_squeeze %dma_start3A_18 : memref<1x128xi32, #tpu.memory_space<vmem>> -> memref<128xi32, #tpu.memory_space<vmem>>
    %dma_start3A_20 = arith.constant 0 : i32
    %dma_start3A_21 = arith.constant 0 : i32
    %dma_start3A_22 = tpu.memref_slice %arg2[%dma_start3A_20, %dma_start3A_21] : memref<10000x128xf32, #tpu.memory_space<hbm>> -> memref<10000x128xf32, #tpu.memory_space<hbm>>
    tpu.enqueue_indirect_dma source(%dma_start3A_22 : memref<10000x128xf32, #tpu.memory_space<hbm>>) target(%arg7 : memref<128x128xf32, #tpu.memory_space<vmem>>) offsets(%dma_start3A_19 : memref<128xi32, #tpu.memory_space<vmem>>) semaphore(%arg9 : memref<!tpu.dma_semaphore, #tpu.memory_space<semaphore_mem>>)
    %dma_start3A_23 = arith.constant 1 : i32
    %dma_start3A_24 = arith.constant 0 : i32
    %dma_start3A_25 = tpu.memref_slice %arg5[%dma_start3A_23, %dma_start3A_24] : memref<40x128xi32, #tpu.memory_space<vmem>> -> memref<1x128xi32, #tpu.memory_space<vmem>>
    %dma_start3A_26 = tpu.memref_squeeze %dma_start3A_25 : memref<1x128xi32, #tpu.memory_space<vmem>> -> memref<128xi32, #tpu.memory_space<vmem>>
    %dma_start3A_27 = arith.constant 0 : i32
    %dma_start3A_28 = arith.constant 0 : i32
    %dma_start3A_29 = tpu.memref_slice %arg2[%dma_start3A_27, %dma_start3A_28] : memref<10000x128xf32, #tpu.memory_space<hbm>> -> memref<10000x128xf32, #tpu.memory_space<hbm>>
    tpu.enqueue_indirect_dma source(%dma_start3A_29 : memref<10000x128xf32, #tpu.memory_space<hbm>>) target(%arg8 : memref<128x128xf32, #tpu.memory_space<vmem>>) offsets(%dma_start3A_26 : memref<128xi32, #tpu.memory_space<vmem>>) semaphore(%arg10 : memref<!tpu.dma_semaphore, #tpu.memory_space<semaphore_mem>>)
    %scan3A_30 = arith.constant 0 : i32
    %scan3A_31 = arith.constant 20 : i32
    %scan3A_32 = arith.addi %scan3A_30, %scan3A_31 : i32
    %scan3A_33 = arith.constant 1 : i32
    scf.for %scan3A_88 = %scan3A_30 to %scan3A_32 step %scan3A_33  : i32 {
      %mul3A_89 = arith.constant 1 : i32
      %mul3A_90 = arith.muli %scan3A_88, %mul3A_89 : i32
      %add3A_91 = arith.constant 0 : i32
      %add3A_92 = arith.addi %add3A_91, %mul3A_90 : i32
      %mul3A_93 = arith.constant 2 : i32
      %mul3A_94 = arith.muli %add3A_92, %mul3A_93 : i32
      %add3A_95 = arith.constant 0 : i32
      %add3A_96 = arith.addi %mul3A_94, %add3A_95 : i32
      %dma_wait3A_97 = arith.constant 0 : i32
      %dma_wait3A_98 = tpu.memref_slice %arg5[%add3A_96, %dma_wait3A_97] : memref<40x128xi32, #tpu.memory_space<vmem>> -> memref<1x128xi32, #tpu.memory_space<vmem>>
      %dma_wait3A_99 = tpu.memref_squeeze %dma_wait3A_98 : memref<1x128xi32, #tpu.memory_space<vmem>> -> memref<128xi32, #tpu.memory_space<vmem>>
      %dma_wait3A_100 = arith.constant 0 : i32
      %dma_wait3A_101 = arith.constant 0 : i32
      %dma_wait3A_102 = tpu.memref_slice %arg2[%dma_wait3A_100, %dma_wait3A_101] : memref<10000x128xf32, #tpu.memory_space<hbm>> -> memref<10000x128xf32, #tpu.memory_space<hbm>>
      tpu.wait_indirect_dma semaphore(%arg9 : memref<!tpu.dma_semaphore, #tpu.memory_space<semaphore_mem>>) src(%dma_wait3A_102 : memref<10000x128xf32, #tpu.memory_space<hbm>>) dst(%arg7 : memref<128x128xf32, #tpu.memory_space<vmem>>)
      %add3A_103 = arith.constant 0 : i32
      %add3A_104 = arith.addi %mul3A_94, %add3A_103 : i32
      %dma_start3A_105 = arith.constant 0 : i32
      %dma_start3A_106 = tpu.memref_slice %arg6[%add3A_104, %dma_start3A_105] : memref<40x128xi32, #tpu.memory_space<vmem>> -> memref<1x128xi32, #tpu.memory_space<vmem>>
      %dma_start3A_107 = tpu.memref_squeeze %dma_start3A_106 : memref<1x128xi32, #tpu.memory_space<vmem>> -> memref<128xi32, #tpu.memory_space<vmem>>
      %dma_start3A_108 = arith.constant 0 : i32
      %dma_start3A_109 = arith.constant 0 : i32
      %dma_start3A_110 = tpu.memref_slice %arg13[%dma_start3A_108, %dma_start3A_109] : memref<10240x128xf32, #tpu.memory_space<vmem_shared>> -> memref<10240x128xf32, #tpu.memory_space<vmem_shared>>
      tpu.enqueue_indirect_dma source(%arg7 : memref<128x128xf32, #tpu.memory_space<vmem>>) target(%dma_start3A_110 : memref<10240x128xf32, #tpu.memory_space<vmem_shared>>) offsets(%dma_start3A_107 : memref<128xi32, #tpu.memory_space<vmem>>) semaphore(%arg11 : memref<!tpu.dma_semaphore, #tpu.memory_space<semaphore_mem>>) {add = true}
      %add3A_111 = arith.constant 1 : i32
      %add3A_112 = arith.addi %mul3A_94, %add3A_111 : i32
      %dma_wait3A_113 = arith.constant 0 : i32
      %dma_wait3A_114 = tpu.memref_slice %arg5[%add3A_112, %dma_wait3A_113] : memref<40x128xi32, #tpu.memory_space<vmem>> -> memref<1x128xi32, #tpu.memory_space<vmem>>
      %dma_wait3A_115 = tpu.memref_squeeze %dma_wait3A_114 : memref<1x128xi32, #tpu.memory_space<vmem>> -> memref<128xi32, #tpu.memory_space<vmem>>
      %dma_wait3A_116 = arith.constant 0 : i32
      %dma_wait3A_117 = arith.constant 0 : i32
      %dma_wait3A_118 = tpu.memref_slice %arg2[%dma_wait3A_116, %dma_wait3A_117] : memref<10000x128xf32, #tpu.memory_space<hbm>> -> memref<10000x128xf32, #tpu.memory_space<hbm>>
      tpu.wait_indirect_dma semaphore(%arg10 : memref<!tpu.dma_semaphore, #tpu.memory_space<semaphore_mem>>) src(%dma_wait3A_118 : memref<10000x128xf32, #tpu.memory_space<hbm>>) dst(%arg8 : memref<128x128xf32, #tpu.memory_space<vmem>>)
      %add3A_119 = arith.constant 1 : i32
      %add3A_120 = arith.addi %mul3A_94, %add3A_119 : i32
      %dma_start3A_121 = arith.constant 0 : i32
      %dma_start3A_122 = tpu.memref_slice %arg6[%add3A_120, %dma_start3A_121] : memref<40x128xi32, #tpu.memory_space<vmem>> -> memref<1x128xi32, #tpu.memory_space<vmem>>
      %dma_start3A_123 = tpu.memref_squeeze %dma_start3A_122 : memref<1x128xi32, #tpu.memory_space<vmem>> -> memref<128xi32, #tpu.memory_space<vmem>>
      %dma_start3A_124 = arith.constant 0 : i32
      %dma_start3A_125 = arith.constant 0 : i32
      %dma_start3A_126 = tpu.memref_slice %arg13[%dma_start3A_124, %dma_start3A_125] : memref<10240x128xf32, #tpu.memory_space<vmem_shared>> -> memref<10240x128xf32, #tpu.memory_space<vmem_shared>>
      tpu.enqueue_indirect_dma source(%arg8 : memref<128x128xf32, #tpu.memory_space<vmem>>) target(%dma_start3A_126 : memref<10240x128xf32, #tpu.memory_space<vmem_shared>>) offsets(%dma_start3A_123 : memref<128xi32, #tpu.memory_space<vmem>>) semaphore(%arg12 : memref<!tpu.dma_semaphore, #tpu.memory_space<semaphore_mem>>) {add = true}
      %add3A_127 = arith.constant 1 : i32
      %add3A_128 = arith.addi %add3A_92, %add3A_127 : i32
      %lt3A = arith.constant 20 : i32
      %lt3A_129 = arith.cmpi slt, %add3A_128, %lt3A : i32
      %convert_element_type3A = arith.extui %lt3A_129 : i1 to i32
      %cond3A = arith.constant 0 : i32
      %cond3A_130 = arith.cmpi ne, %convert_element_type3A, %cond3A : i32
      scf.if %cond3A_130 {
        %add3A_131 = arith.constant 0 : i32
        %add3A_132 = arith.addi %mul3A_94, %add3A_131 : i32
        %dma_wait3A_133 = arith.constant 0 : i32
        %dma_wait3A_134 = tpu.memref_slice %arg6[%add3A_132, %dma_wait3A_133] : memref<40x128xi32, #tpu.memory_space<vmem>> -> memref<1x128xi32, #tpu.memory_space<vmem>>
        %dma_wait3A_135 = tpu.memref_squeeze %dma_wait3A_134 : memref<1x128xi32, #tpu.memory_space<vmem>> -> memref<128xi32, #tpu.memory_space<vmem>>
        %dma_wait3A_136 = arith.constant 0 : i32
        %dma_wait3A_137 = arith.constant 0 : i32
        %dma_wait3A_138 = tpu.memref_slice %arg13[%dma_wait3A_136, %dma_wait3A_137] : memref<10240x128xf32, #tpu.memory_space<vmem_shared>> -> memref<10240x128xf32, #tpu.memory_space<vmem_shared>>
        tpu.wait_indirect_dma semaphore(%arg11 : memref<!tpu.dma_semaphore, #tpu.memory_space<semaphore_mem>>) src(%arg7 : memref<128x128xf32, #tpu.memory_space<vmem>>) dst(%dma_wait3A_138 : memref<10240x128xf32, #tpu.memory_space<vmem_shared>>)
        %add3A_139 = arith.constant 2 : i32
        %add3A_140 = arith.addi %mul3A_94, %add3A_139 : i32
        %add3A_141 = arith.constant 0 : i32
        %add3A_142 = arith.addi %add3A_140, %add3A_141 : i32
        %dma_start3A_143 = arith.constant 0 : i32
        %dma_start3A_144 = tpu.memref_slice %arg5[%add3A_142, %dma_start3A_143] : memref<40x128xi32, #tpu.memory_space<vmem>> -> memref<1x128xi32, #tpu.memory_space<vmem>>
        %dma_start3A_145 = tpu.memref_squeeze %dma_start3A_144 : memref<1x128xi32, #tpu.memory_space<vmem>> -> memref<128xi32, #tpu.memory_space<vmem>>
        %dma_start3A_146 = arith.constant 0 : i32
        %dma_start3A_147 = arith.constant 0 : i32
        %dma_start3A_148 = tpu.memref_slice %arg2[%dma_start3A_146, %dma_start3A_147] : memref<10000x128xf32, #tpu.memory_space<hbm>> -> memref<10000x128xf32, #tpu.memory_space<hbm>>
        tpu.enqueue_indirect_dma source(%dma_start3A_148 : memref<10000x128xf32, #tpu.memory_space<hbm>>) target(%arg7 : memref<128x128xf32, #tpu.memory_space<vmem>>) offsets(%dma_start3A_145 : memref<128xi32, #tpu.memory_space<vmem>>) semaphore(%arg9 : memref<!tpu.dma_semaphore, #tpu.memory_space<semaphore_mem>>)
        %add3A_149 = arith.constant 1 : i32
        %add3A_150 = arith.addi %mul3A_94, %add3A_149 : i32
        %dma_wait3A_151 = arith.constant 0 : i32
        %dma_wait3A_152 = tpu.memref_slice %arg6[%add3A_150, %dma_wait3A_151] : memref<40x128xi32, #tpu.memory_space<vmem>> -> memref<1x128xi32, #tpu.memory_space<vmem>>
        %dma_wait3A_153 = tpu.memref_squeeze %dma_wait3A_152 : memref<1x128xi32, #tpu.memory_space<vmem>> -> memref<128xi32, #tpu.memory_space<vmem>>
        %dma_wait3A_154 = arith.constant 0 : i32
        %dma_wait3A_155 = arith.constant 0 : i32
        %dma_wait3A_156 = tpu.memref_slice %arg13[%dma_wait3A_154, %dma_wait3A_155] : memref<10240x128xf32, #tpu.memory_space<vmem_shared>> -> memref<10240x128xf32, #tpu.memory_space<vmem_shared>>
        tpu.wait_indirect_dma semaphore(%arg12 : memref<!tpu.dma_semaphore, #tpu.memory_space<semaphore_mem>>) src(%arg8 : memref<128x128xf32, #tpu.memory_space<vmem>>) dst(%dma_wait3A_156 : memref<10240x128xf32, #tpu.memory_space<vmem_shared>>)
        %add3A_157 = arith.constant 2 : i32
        %add3A_158 = arith.addi %mul3A_94, %add3A_157 : i32
        %add3A_159 = arith.constant 1 : i32
        %add3A_160 = arith.addi %add3A_158, %add3A_159 : i32
        %dma_start3A_161 = arith.constant 0 : i32
        %dma_start3A_162 = tpu.memref_slice %arg5[%add3A_160, %dma_start3A_161] : memref<40x128xi32, #tpu.memory_space<vmem>> -> memref<1x128xi32, #tpu.memory_space<vmem>>
        %dma_start3A_163 = tpu.memref_squeeze %dma_start3A_162 : memref<1x128xi32, #tpu.memory_space<vmem>> -> memref<128xi32, #tpu.memory_space<vmem>>
        %dma_start3A_164 = arith.constant 0 : i32
        %dma_start3A_165 = arith.constant 0 : i32
        %dma_start3A_166 = tpu.memref_slice %arg2[%dma_start3A_164, %dma_start3A_165] : memref<10000x128xf32, #tpu.memory_space<hbm>> -> memref<10000x128xf32, #tpu.memory_space<hbm>>
        tpu.enqueue_indirect_dma source(%dma_start3A_166 : memref<10000x128xf32, #tpu.memory_space<hbm>>) target(%arg8 : memref<128x128xf32, #tpu.memory_space<vmem>>) offsets(%dma_start3A_163 : memref<128xi32, #tpu.memory_space<vmem>>) semaphore(%arg10 : memref<!tpu.dma_semaphore, #tpu.memory_space<semaphore_mem>>)
      } else {
      }
    }
    %scan3A_34 = arith.constant 20 : i32
    %dma_wait3A = arith.constant 38 : i32
    %dma_wait3A_35 = arith.constant 0 : i32
    %dma_wait3A_36 = tpu.memref_slice %arg6[%dma_wait3A, %dma_wait3A_35] : memref<40x128xi32, #tpu.memory_space<vmem>> -> memref<1x128xi32, #tpu.memory_space<vmem>>
    %dma_wait3A_37 = tpu.memref_squeeze %dma_wait3A_36 : memref<1x128xi32, #tpu.memory_space<vmem>> -> memref<128xi32, #tpu.memory_space<vmem>>
    %dma_wait3A_38 = arith.constant 0 : i32
    %dma_wait3A_39 = arith.constant 0 : i32
    %dma_wait3A_40 = tpu.memref_slice %arg13[%dma_wait3A_38, %dma_wait3A_39] : memref<10240x128xf32, #tpu.memory_space<vmem_shared>> -> memref<10240x128xf32, #tpu.memory_space<vmem_shared>>
    tpu.wait_indirect_dma semaphore(%arg11 : memref<!tpu.dma_semaphore, #tpu.memory_space<semaphore_mem>>) src(%arg7 : memref<128x128xf32, #tpu.memory_space<vmem>>) dst(%dma_wait3A_40 : memref<10240x128xf32, #tpu.memory_space<vmem_shared>>)
    %dma_wait3A_41 = arith.constant 39 : i32
    %dma_wait3A_42 = arith.constant 0 : i32
    %dma_wait3A_43 = tpu.memref_slice %arg6[%dma_wait3A_41, %dma_wait3A_42] : memref<40x128xi32, #tpu.memory_space<vmem>> -> memref<1x128xi32, #tpu.memory_space<vmem>>
    %dma_wait3A_44 = tpu.memref_squeeze %dma_wait3A_43 : memref<1x128xi32, #tpu.memory_space<vmem>> -> memref<128xi32, #tpu.memory_space<vmem>>
    %dma_wait3A_45 = arith.constant 0 : i32
    %dma_wait3A_46 = arith.constant 0 : i32
    %dma_wait3A_47 = tpu.memref_slice %arg13[%dma_wait3A_45, %dma_wait3A_46] : memref<10240x128xf32, #tpu.memory_space<vmem_shared>> -> memref<10240x128xf32, #tpu.memory_space<vmem_shared>>
    tpu.wait_indirect_dma semaphore(%arg12 : memref<!tpu.dma_semaphore, #tpu.memory_space<semaphore_mem>>) src(%arg8 : memref<128x128xf32, #tpu.memory_space<vmem>>) dst(%dma_wait3A_47 : memref<10240x128xf32, #tpu.memory_space<vmem_shared>>)
    %mul3A_48 = arith.constant 80 : i32
    %mul3A_49 = arith.muli %add3A, %mul3A_48 : i32
    %add3A_50 = arith.constant 40 : i32
    %add3A_51 = arith.addi %mul3A_49, %add3A_50 : i32
    %run_scoped3A_52 = arith.constant 0 : i32
    "tpu.region"() ({
      %run_scoped3A_88 = tpu.sem_alloc : memref<!tpu.dma_semaphore, #tpu.memory_space<semaphore_mem>>
      %dma_start3A_89 = arith.constant 0 : i32
      %dma_start3A_90 = arith.constant 0 : i32
      %dma_start3A_91 = tpu.memref_slice %arg5[%dma_start3A_89, %dma_start3A_90] : memref<40x128xi32, #tpu.memory_space<vmem>> -> memref<40x128xi32, #tpu.memory_space<vmem>>
      %dma_start3A_92 = arith.constant 0 : i32
      %dma_start3A_93 = tpu.memref_slice %arg3[%run_scoped3A_52, %add3A_51, %dma_start3A_92] : memref<2x2560x128xi32, #tpu.memory_space<hbm>> -> memref<1x40x128xi32, #tpu.memory_space<hbm>>
      %dma_start3A_94 = tpu.memref_squeeze %dma_start3A_93 : memref<1x40x128xi32, #tpu.memory_space<hbm>> -> memref<40x128xi32, #tpu.memory_space<hbm>>
      %dma_start3A_95 = arith.constant 0 : i32
      %dma_start3A_96 = arith.constant 0 : i32
      %dma_start3A_97 = tpu.memref_slice %arg5[%dma_start3A_95, %dma_start3A_96] : memref<40x128xi32, #tpu.memory_space<vmem>> -> memref<40x128xi32, #tpu.memory_space<vmem>>
      %dma_start3A_98 = arith.constant 0 : i32
      %dma_start3A_99 = tpu.memref_slice %arg3[%run_scoped3A_52, %add3A_51, %dma_start3A_98] : memref<2x2560x128xi32, #tpu.memory_space<hbm>> -> memref<1x40x128xi32, #tpu.memory_space<hbm>>
      %dma_start3A_100 = tpu.memref_squeeze %dma_start3A_99 : memref<1x40x128xi32, #tpu.memory_space<hbm>> -> memref<40x128xi32, #tpu.memory_space<hbm>>
      tpu.enqueue_dma source(%dma_start3A_100 : memref<40x128xi32, #tpu.memory_space<hbm>>) target(%dma_start3A_97 : memref<40x128xi32, #tpu.memory_space<vmem>>) target_semaphore(%run_scoped3A_88 : memref<!tpu.dma_semaphore, #tpu.memory_space<semaphore_mem>>)
      %dma_wait3A_101 = arith.constant 0 : i32
      %dma_wait3A_102 = arith.constant 0 : i32
      %dma_wait3A_103 = tpu.memref_slice %arg5[%dma_wait3A_101, %dma_wait3A_102] : memref<40x128xi32, #tpu.memory_space<vmem>> -> memref<40x128xi32, #tpu.memory_space<vmem>>
      %dma_wait3A_104 = arith.constant 0 : i32
      %dma_wait3A_105 = tpu.memref_slice %arg3[%run_scoped3A_52, %add3A_51, %dma_wait3A_104] : memref<2x2560x128xi32, #tpu.memory_space<hbm>> -> memref<1x40x128xi32, #tpu.memory_space<hbm>>
      %dma_wait3A_106 = tpu.memref_squeeze %dma_wait3A_105 : memref<1x40x128xi32, #tpu.memory_space<hbm>> -> memref<40x128xi32, #tpu.memory_space<hbm>>
      %dma_wait3A_107 = arith.constant 0 : i32
      %dma_wait3A_108 = arith.constant 0 : i32
      %dma_wait3A_109 = tpu.memref_slice %arg5[%dma_wait3A_107, %dma_wait3A_108] : memref<40x128xi32, #tpu.memory_space<vmem>> -> memref<40x128xi32, #tpu.memory_space<vmem>>
      %dma_wait3A_110 = arith.constant 0 : i32
      %dma_wait3A_111 = tpu.memref_slice %arg3[%run_scoped3A_52, %add3A_51, %dma_wait3A_110] : memref<2x2560x128xi32, #tpu.memory_space<hbm>> -> memref<1x40x128xi32, #tpu.memory_space<hbm>>
      %dma_wait3A_112 = tpu.memref_squeeze %dma_wait3A_111 : memref<1x40x128xi32, #tpu.memory_space<hbm>> -> memref<40x128xi32, #tpu.memory_space<hbm>>
      tpu.wait_dma2 semaphore(%run_scoped3A_88 : memref<!tpu.dma_semaphore, #tpu.memory_space<semaphore_mem>>) src(%dma_wait3A_112 : memref<40x128xi32, #tpu.memory_space<hbm>>) dst(%dma_wait3A_109 : memref<40x128xi32, #tpu.memory_space<vmem>>)
      tpu.yield
    }) : () -> ()
    %run_scoped3A_53 = arith.constant 1 : i32
    "tpu.region"() ({
      %run_scoped3A_88 = tpu.sem_alloc : memref<!tpu.dma_semaphore, #tpu.memory_space<semaphore_mem>>
      %dma_start3A_89 = arith.constant 0 : i32
      %dma_start3A_90 = arith.constant 0 : i32
      %dma_start3A_91 = tpu.memref_slice %arg6[%dma_start3A_89, %dma_start3A_90] : memref<40x128xi32, #tpu.memory_space<vmem>> -> memref<40x128xi32, #tpu.memory_space<vmem>>
      %dma_start3A_92 = arith.constant 0 : i32
      %dma_start3A_93 = tpu.memref_slice %arg3[%run_scoped3A_53, %add3A_51, %dma_start3A_92] : memref<2x2560x128xi32, #tpu.memory_space<hbm>> -> memref<1x40x128xi32, #tpu.memory_space<hbm>>
      %dma_start3A_94 = tpu.memref_squeeze %dma_start3A_93 : memref<1x40x128xi32, #tpu.memory_space<hbm>> -> memref<40x128xi32, #tpu.memory_space<hbm>>
      %dma_start3A_95 = arith.constant 0 : i32
      %dma_start3A_96 = arith.constant 0 : i32
      %dma_start3A_97 = tpu.memref_slice %arg6[%dma_start3A_95, %dma_start3A_96] : memref<40x128xi32, #tpu.memory_space<vmem>> -> memref<40x128xi32, #tpu.memory_space<vmem>>
      %dma_start3A_98 = arith.constant 0 : i32
      %dma_start3A_99 = tpu.memref_slice %arg3[%run_scoped3A_53, %add3A_51, %dma_start3A_98] : memref<2x2560x128xi32, #tpu.memory_space<hbm>> -> memref<1x40x128xi32, #tpu.memory_space<hbm>>
      %dma_start3A_100 = tpu.memref_squeeze %dma_start3A_99 : memref<1x40x128xi32, #tpu.memory_space<hbm>> -> memref<40x128xi32, #tpu.memory_space<hbm>>
      tpu.enqueue_dma source(%dma_start3A_100 : memref<40x128xi32, #tpu.memory_space<hbm>>) target(%dma_start3A_97 : memref<40x128xi32, #tpu.memory_space<vmem>>) target_semaphore(%run_scoped3A_88 : memref<!tpu.dma_semaphore, #tpu.memory_space<semaphore_mem>>)
      %dma_wait3A_101 = arith.constant 0 : i32
      %dma_wait3A_102 = arith.constant 0 : i32
      %dma_wait3A_103 = tpu.memref_slice %arg6[%dma_wait3A_101, %dma_wait3A_102] : memref<40x128xi32, #tpu.memory_space<vmem>> -> memref<40x128xi32, #tpu.memory_space<vmem>>
      %dma_wait3A_104 = arith.constant 0 : i32
      %dma_wait3A_105 = tpu.memref_slice %arg3[%run_scoped3A_53, %add3A_51, %dma_wait3A_104] : memref<2x2560x128xi32, #tpu.memory_space<hbm>> -> memref<1x40x128xi32, #tpu.memory_space<hbm>>
      %dma_wait3A_106 = tpu.memref_squeeze %dma_wait3A_105 : memref<1x40x128xi32, #tpu.memory_space<hbm>> -> memref<40x128xi32, #tpu.memory_space<hbm>>
      %dma_wait3A_107 = arith.constant 0 : i32
      %dma_wait3A_108 = arith.constant 0 : i32
      %dma_wait3A_109 = tpu.memref_slice %arg6[%dma_wait3A_107, %dma_wait3A_108] : memref<40x128xi32, #tpu.memory_space<vmem>> -> memref<40x128xi32, #tpu.memory_space<vmem>>
      %dma_wait3A_110 = arith.constant 0 : i32
      %dma_wait3A_111 = tpu.memref_slice %arg3[%run_scoped3A_53, %add3A_51, %dma_wait3A_110] : memref<2x2560x128xi32, #tpu.memory_space<hbm>> -> memref<1x40x128xi32, #tpu.memory_space<hbm>>
      %dma_wait3A_112 = tpu.memref_squeeze %dma_wait3A_111 : memref<1x40x128xi32, #tpu.memory_space<hbm>> -> memref<40x128xi32, #tpu.memory_space<hbm>>
      tpu.wait_dma2 semaphore(%run_scoped3A_88 : memref<!tpu.dma_semaphore, #tpu.memory_space<semaphore_mem>>) src(%dma_wait3A_112 : memref<40x128xi32, #tpu.memory_space<hbm>>) dst(%dma_wait3A_109 : memref<40x128xi32, #tpu.memory_space<vmem>>)
      tpu.yield
    }) : () -> ()
    %dma_start3A_54 = arith.constant 0 : i32
    %dma_start3A_55 = arith.constant 0 : i32
    %dma_start3A_56 = tpu.memref_slice %arg5[%dma_start3A_54, %dma_start3A_55] : memref<40x128xi32, #tpu.memory_space<vmem>> -> memref<1x128xi32, #tpu.memory_space<vmem>>
    %dma_start3A_57 = tpu.memref_squeeze %dma_start3A_56 : memref<1x128xi32, #tpu.memory_space<vmem>> -> memref<128xi32, #tpu.memory_space<vmem>>
    %dma_start3A_58 = arith.constant 0 : i32
    %dma_start3A_59 = arith.constant 0 : i32
    %dma_start3A_60 = tpu.memref_slice %arg2[%dma_start3A_58, %dma_start3A_59] : memref<10000x128xf32, #tpu.memory_space<hbm>> -> memref<10000x128xf32, #tpu.memory_space<hbm>>
    tpu.enqueue_indirect_dma source(%dma_start3A_60 : memref<10000x128xf32, #tpu.memory_space<hbm>>) target(%arg7 : memref<128x128xf32, #tpu.memory_space<vmem>>) offsets(%dma_start3A_57 : memref<128xi32, #tpu.memory_space<vmem>>) semaphore(%arg9 : memref<!tpu.dma_semaphore, #tpu.memory_space<semaphore_mem>>)
    %dma_start3A_61 = arith.constant 1 : i32
    %dma_start3A_62 = arith.constant 0 : i32
    %dma_start3A_63 = tpu.memref_slice %arg5[%dma_start3A_61, %dma_start3A_62] : memref<40x128xi32, #tpu.memory_space<vmem>> -> memref<1x128xi32, #tpu.memory_space<vmem>>
    %dma_start3A_64 = tpu.memref_squeeze %dma_start3A_63 : memref<1x128xi32, #tpu.memory_space<vmem>> -> memref<128xi32, #tpu.memory_space<vmem>>
    %dma_start3A_65 = arith.constant 0 : i32
    %dma_start3A_66 = arith.constant 0 : i32
    %dma_start3A_67 = tpu.memref_slice %arg2[%dma_start3A_65, %dma_start3A_66] : memref<10000x128xf32, #tpu.memory_space<hbm>> -> memref<10000x128xf32, #tpu.memory_space<hbm>>
    tpu.enqueue_indirect_dma source(%dma_start3A_67 : memref<10000x128xf32, #tpu.memory_space<hbm>>) target(%arg8 : memref<128x128xf32, #tpu.memory_space<vmem>>) offsets(%dma_start3A_64 : memref<128xi32, #tpu.memory_space<vmem>>) semaphore(%arg10 : memref<!tpu.dma_semaphore, #tpu.memory_space<semaphore_mem>>)
    %scan3A_68 = arith.constant 0 : i32
    %scan3A_69 = arith.constant 20 : i32
    %scan3A_70 = arith.addi %scan3A_68, %scan3A_69 : i32
    %scan3A_71 = arith.constant 1 : i32
    scf.for %scan3A_88 = %scan3A_68 to %scan3A_70 step %scan3A_71  : i32 {
      %mul3A_89 = arith.constant 1 : i32
      %mul3A_90 = arith.muli %scan3A_88, %mul3A_89 : i32
      %add3A_91 = arith.constant 0 : i32
      %add3A_92 = arith.addi %add3A_91, %mul3A_90 : i32
      %mul3A_93 = arith.constant 2 : i32
      %mul3A_94 = arith.muli %add3A_92, %mul3A_93 : i32
      %add3A_95 = arith.constant 0 : i32
      %add3A_96 = arith.addi %mul3A_94, %add3A_95 : i32
      %dma_wait3A_97 = arith.constant 0 : i32
      %dma_wait3A_98 = tpu.memref_slice %arg5[%add3A_96, %dma_wait3A_97] : memref<40x128xi32, #tpu.memory_space<vmem>> -> memref<1x128xi32, #tpu.memory_space<vmem>>
      %dma_wait3A_99 = tpu.memref_squeeze %dma_wait3A_98 : memref<1x128xi32, #tpu.memory_space<vmem>> -> memref<128xi32, #tpu.memory_space<vmem>>
      %dma_wait3A_100 = arith.constant 0 : i32
      %dma_wait3A_101 = arith.constant 0 : i32
      %dma_wait3A_102 = tpu.memref_slice %arg2[%dma_wait3A_100, %dma_wait3A_101] : memref<10000x128xf32, #tpu.memory_space<hbm>> -> memref<10000x128xf32, #tpu.memory_space<hbm>>
      tpu.wait_indirect_dma semaphore(%arg9 : memref<!tpu.dma_semaphore, #tpu.memory_space<semaphore_mem>>) src(%dma_wait3A_102 : memref<10000x128xf32, #tpu.memory_space<hbm>>) dst(%arg7 : memref<128x128xf32, #tpu.memory_space<vmem>>)
      %add3A_103 = arith.constant 0 : i32
      %add3A_104 = arith.addi %mul3A_94, %add3A_103 : i32
      %dma_start3A_105 = arith.constant 0 : i32
      %dma_start3A_106 = tpu.memref_slice %arg6[%add3A_104, %dma_start3A_105] : memref<40x128xi32, #tpu.memory_space<vmem>> -> memref<1x128xi32, #tpu.memory_space<vmem>>
      %dma_start3A_107 = tpu.memref_squeeze %dma_start3A_106 : memref<1x128xi32, #tpu.memory_space<vmem>> -> memref<128xi32, #tpu.memory_space<vmem>>
      %dma_start3A_108 = arith.constant 0 : i32
      %dma_start3A_109 = arith.constant 0 : i32
      %dma_start3A_110 = tpu.memref_slice %arg13[%dma_start3A_108, %dma_start3A_109] : memref<10240x128xf32, #tpu.memory_space<vmem_shared>> -> memref<10240x128xf32, #tpu.memory_space<vmem_shared>>
      tpu.enqueue_indirect_dma source(%arg7 : memref<128x128xf32, #tpu.memory_space<vmem>>) target(%dma_start3A_110 : memref<10240x128xf32, #tpu.memory_space<vmem_shared>>) offsets(%dma_start3A_107 : memref<128xi32, #tpu.memory_space<vmem>>) semaphore(%arg11 : memref<!tpu.dma_semaphore, #tpu.memory_space<semaphore_mem>>) {add = true}
      %add3A_111 = arith.constant 1 : i32
      %add3A_112 = arith.addi %mul3A_94, %add3A_111 : i32
      %dma_wait3A_113 = arith.constant 0 : i32
      %dma_wait3A_114 = tpu.memref_slice %arg5[%add3A_112, %dma_wait3A_113] : memref<40x128xi32, #tpu.memory_space<vmem>> -> memref<1x128xi32, #tpu.memory_space<vmem>>
      %dma_wait3A_115 = tpu.memref_squeeze %dma_wait3A_114 : memref<1x128xi32, #tpu.memory_space<vmem>> -> memref<128xi32, #tpu.memory_space<vmem>>
      %dma_wait3A_116 = arith.constant 0 : i32
      %dma_wait3A_117 = arith.constant 0 : i32
      %dma_wait3A_118 = tpu.memref_slice %arg2[%dma_wait3A_116, %dma_wait3A_117] : memref<10000x128xf32, #tpu.memory_space<hbm>> -> memref<10000x128xf32, #tpu.memory_space<hbm>>
      tpu.wait_indirect_dma semaphore(%arg10 : memref<!tpu.dma_semaphore, #tpu.memory_space<semaphore_mem>>) src(%dma_wait3A_118 : memref<10000x128xf32, #tpu.memory_space<hbm>>) dst(%arg8 : memref<128x128xf32, #tpu.memory_space<vmem>>)
      %add3A_119 = arith.constant 1 : i32
      %add3A_120 = arith.addi %mul3A_94, %add3A_119 : i32
      %dma_start3A_121 = arith.constant 0 : i32
      %dma_start3A_122 = tpu.memref_slice %arg6[%add3A_120, %dma_start3A_121] : memref<40x128xi32, #tpu.memory_space<vmem>> -> memref<1x128xi32, #tpu.memory_space<vmem>>
      %dma_start3A_123 = tpu.memref_squeeze %dma_start3A_122 : memref<1x128xi32, #tpu.memory_space<vmem>> -> memref<128xi32, #tpu.memory_space<vmem>>
      %dma_start3A_124 = arith.constant 0 : i32
      %dma_start3A_125 = arith.constant 0 : i32
      %dma_start3A_126 = tpu.memref_slice %arg13[%dma_start3A_124, %dma_start3A_125] : memref<10240x128xf32, #tpu.memory_space<vmem_shared>> -> memref<10240x128xf32, #tpu.memory_space<vmem_shared>>
      tpu.enqueue_indirect_dma source(%arg8 : memref<128x128xf32, #tpu.memory_space<vmem>>) target(%dma_start3A_126 : memref<10240x128xf32, #tpu.memory_space<vmem_shared>>) offsets(%dma_start3A_123 : memref<128xi32, #tpu.memory_space<vmem>>) semaphore(%arg12 : memref<!tpu.dma_semaphore, #tpu.memory_space<semaphore_mem>>) {add = true}
      %add3A_127 = arith.constant 1 : i32
      %add3A_128 = arith.addi %add3A_92, %add3A_127 : i32
      %lt3A = arith.constant 20 : i32
      %lt3A_129 = arith.cmpi slt, %add3A_128, %lt3A : i32
      %convert_element_type3A = arith.extui %lt3A_129 : i1 to i32
      %cond3A = arith.constant 0 : i32
      %cond3A_130 = arith.cmpi ne, %convert_element_type3A, %cond3A : i32
      scf.if %cond3A_130 {
        %add3A_131 = arith.constant 0 : i32
        %add3A_132 = arith.addi %mul3A_94, %add3A_131 : i32
        %dma_wait3A_133 = arith.constant 0 : i32
        %dma_wait3A_134 = tpu.memref_slice %arg6[%add3A_132, %dma_wait3A_133] : memref<40x128xi32, #tpu.memory_space<vmem>> -> memref<1x128xi32, #tpu.memory_space<vmem>>
        %dma_wait3A_135 = tpu.memref_squeeze %dma_wait3A_134 : memref<1x128xi32, #tpu.memory_space<vmem>> -> memref<128xi32, #tpu.memory_space<vmem>>
        %dma_wait3A_136 = arith.constant 0 : i32
        %dma_wait3A_137 = arith.constant 0 : i32
        %dma_wait3A_138 = tpu.memref_slice %arg13[%dma_wait3A_136, %dma_wait3A_137] : memref<10240x128xf32, #tpu.memory_space<vmem_shared>> -> memref<10240x128xf32, #tpu.memory_space<vmem_shared>>
        tpu.wait_indirect_dma semaphore(%arg11 : memref<!tpu.dma_semaphore, #tpu.memory_space<semaphore_mem>>) src(%arg7 : memref<128x128xf32, #tpu.memory_space<vmem>>) dst(%dma_wait3A_138 : memref<10240x128xf32, #tpu.memory_space<vmem_shared>>)
        %add3A_139 = arith.constant 2 : i32
        %add3A_140 = arith.addi %mul3A_94, %add3A_139 : i32
        %add3A_141 = arith.constant 0 : i32
        %add3A_142 = arith.addi %add3A_140, %add3A_141 : i32
        %dma_start3A_143 = arith.constant 0 : i32
        %dma_start3A_144 = tpu.memref_slice %arg5[%add3A_142, %dma_start3A_143] : memref<40x128xi32, #tpu.memory_space<vmem>> -> memref<1x128xi32, #tpu.memory_space<vmem>>
        %dma_start3A_145 = tpu.memref_squeeze %dma_start3A_144 : memref<1x128xi32, #tpu.memory_space<vmem>> -> memref<128xi32, #tpu.memory_space<vmem>>
        %dma_start3A_146 = arith.constant 0 : i32
        %dma_start3A_147 = arith.constant 0 : i32
        %dma_start3A_148 = tpu.memref_slice %arg2[%dma_start3A_146, %dma_start3A_147] : memref<10000x128xf32, #tpu.memory_space<hbm>> -> memref<10000x128xf32, #tpu.memory_space<hbm>>
        tpu.enqueue_indirect_dma source(%dma_start3A_148 : memref<10000x128xf32, #tpu.memory_space<hbm>>) target(%arg7 : memref<128x128xf32, #tpu.memory_space<vmem>>) offsets(%dma_start3A_145 : memref<128xi32, #tpu.memory_space<vmem>>) semaphore(%arg9 : memref<!tpu.dma_semaphore, #tpu.memory_space<semaphore_mem>>)
        %add3A_149 = arith.constant 1 : i32
        %add3A_150 = arith.addi %mul3A_94, %add3A_149 : i32
        %dma_wait3A_151 = arith.constant 0 : i32
        %dma_wait3A_152 = tpu.memref_slice %arg6[%add3A_150, %dma_wait3A_151] : memref<40x128xi32, #tpu.memory_space<vmem>> -> memref<1x128xi32, #tpu.memory_space<vmem>>
        %dma_wait3A_153 = tpu.memref_squeeze %dma_wait3A_152 : memref<1x128xi32, #tpu.memory_space<vmem>> -> memref<128xi32, #tpu.memory_space<vmem>>
        %dma_wait3A_154 = arith.constant 0 : i32
        %dma_wait3A_155 = arith.constant 0 : i32
        %dma_wait3A_156 = tpu.memref_slice %arg13[%dma_wait3A_154, %dma_wait3A_155] : memref<10240x128xf32, #tpu.memory_space<vmem_shared>> -> memref<10240x128xf32, #tpu.memory_space<vmem_shared>>
        tpu.wait_indirect_dma semaphore(%arg12 : memref<!tpu.dma_semaphore, #tpu.memory_space<semaphore_mem>>) src(%arg8 : memref<128x128xf32, #tpu.memory_space<vmem>>) dst(%dma_wait3A_156 : memref<10240x128xf32, #tpu.memory_space<vmem_shared>>)
        %add3A_157 = arith.constant 2 : i32
        %add3A_158 = arith.addi %mul3A_94, %add3A_157 : i32
        %add3A_159 = arith.constant 1 : i32
        %add3A_160 = arith.addi %add3A_158, %add3A_159 : i32
        %dma_start3A_161 = arith.constant 0 : i32
        %dma_start3A_162 = tpu.memref_slice %arg5[%add3A_160, %dma_start3A_161] : memref<40x128xi32, #tpu.memory_space<vmem>> -> memref<1x128xi32, #tpu.memory_space<vmem>>
        %dma_start3A_163 = tpu.memref_squeeze %dma_start3A_162 : memref<1x128xi32, #tpu.memory_space<vmem>> -> memref<128xi32, #tpu.memory_space<vmem>>
        %dma_start3A_164 = arith.constant 0 : i32
        %dma_start3A_165 = arith.constant 0 : i32
        %dma_start3A_166 = tpu.memref_slice %arg2[%dma_start3A_164, %dma_start3A_165] : memref<10000x128xf32, #tpu.memory_space<hbm>> -> memref<10000x128xf32, #tpu.memory_space<hbm>>
        tpu.enqueue_indirect_dma source(%dma_start3A_166 : memref<10000x128xf32, #tpu.memory_space<hbm>>) target(%arg8 : memref<128x128xf32, #tpu.memory_space<vmem>>) offsets(%dma_start3A_163 : memref<128xi32, #tpu.memory_space<vmem>>) semaphore(%arg10 : memref<!tpu.dma_semaphore, #tpu.memory_space<semaphore_mem>>)
      } else {
      }
    }
    %scan3A_72 = arith.constant 20 : i32
    %dma_wait3A_73 = arith.constant 38 : i32
    %dma_wait3A_74 = arith.constant 0 : i32
    %dma_wait3A_75 = tpu.memref_slice %arg6[%dma_wait3A_73, %dma_wait3A_74] : memref<40x128xi32, #tpu.memory_space<vmem>> -> memref<1x128xi32, #tpu.memory_space<vmem>>
    %dma_wait3A_76 = tpu.memref_squeeze %dma_wait3A_75 : memref<1x128xi32, #tpu.memory_space<vmem>> -> memref<128xi32, #tpu.memory_space<vmem>>
    %dma_wait3A_77 = arith.constant 0 : i32
    %dma_wait3A_78 = arith.constant 0 : i32
    %dma_wait3A_79 = tpu.memref_slice %arg13[%dma_wait3A_77, %dma_wait3A_78] : memref<10240x128xf32, #tpu.memory_space<vmem_shared>> -> memref<10240x128xf32, #tpu.memory_space<vmem_shared>>
    tpu.wait_indirect_dma semaphore(%arg11 : memref<!tpu.dma_semaphore, #tpu.memory_space<semaphore_mem>>) src(%arg7 : memref<128x128xf32, #tpu.memory_space<vmem>>) dst(%dma_wait3A_79 : memref<10240x128xf32, #tpu.memory_space<vmem_shared>>)
    %dma_wait3A_80 = arith.constant 39 : i32
    %dma_wait3A_81 = arith.constant 0 : i32
    %dma_wait3A_82 = tpu.memref_slice %arg6[%dma_wait3A_80, %dma_wait3A_81] : memref<40x128xi32, #tpu.memory_space<vmem>> -> memref<1x128xi32, #tpu.memory_space<vmem>>
    %dma_wait3A_83 = tpu.memref_squeeze %dma_wait3A_82 : memref<1x128xi32, #tpu.memory_space<vmem>> -> memref<128xi32, #tpu.memory_space<vmem>>
    %dma_wait3A_84 = arith.constant 0 : i32
    %dma_wait3A_85 = arith.constant 0 : i32
    %dma_wait3A_86 = tpu.memref_slice %arg13[%dma_wait3A_84, %dma_wait3A_85] : memref<10240x128xf32, #tpu.memory_space<vmem_shared>> -> memref<10240x128xf32, #tpu.memory_space<vmem_shared>>
    tpu.wait_indirect_dma semaphore(%arg12 : memref<!tpu.dma_semaphore, #tpu.memory_space<semaphore_mem>>) src(%arg8 : memref<128x128xf32, #tpu.memory_space<vmem>>) dst(%dma_wait3A_86 : memref<10240x128xf32, #tpu.memory_space<vmem_shared>>)
    %barrier3A_87 = arith.constant 0 : index
    tpu.barrier barrier_id(%barrier3A_87)
    "tpu.region"() ({
      %run_scoped3A_88 = tpu.sem_alloc : memref<!tpu.dma_semaphore, #tpu.memory_space<semaphore_mem>>
      %dma_start3A_89 = arith.constant 0 : i32
      %dma_start3A_90 = tpu.memref_slice %arg4[%arg0, %mul3A_2, %dma_start3A_89] : memref<2x10240x128xf32, #tpu.memory_space<hbm>> -> memref<1x640x128xf32, #tpu.memory_space<hbm>>
      %dma_start3A_91 = tpu.memref_squeeze %dma_start3A_90 : memref<1x640x128xf32, #tpu.memory_space<hbm>> -> memref<640x128xf32, #tpu.memory_space<hbm>>
      %dma_start3A_92 = arith.constant 0 : i32
      %dma_start3A_93 = tpu.memref_slice %arg13[%mul3A_2, %dma_start3A_92] : memref<10240x128xf32, #tpu.memory_space<vmem_shared>> -> memref<640x128xf32, #tpu.memory_space<vmem_shared>>
      tpu.enqueue_dma source(%dma_start3A_93 : memref<640x128xf32, #tpu.memory_space<vmem_shared>>) target(%dma_start3A_91 : memref<640x128xf32, #tpu.memory_space<hbm>>) target_semaphore(%run_scoped3A_88 : memref<!tpu.dma_semaphore, #tpu.memory_space<semaphore_mem>>)
      %dma_wait3A_94 = arith.constant 0 : i32
      %dma_wait3A_95 = tpu.memref_slice %arg4[%arg0, %mul3A_2, %dma_wait3A_94] : memref<2x10240x128xf32, #tpu.memory_space<hbm>> -> memref<1x640x128xf32, #tpu.memory_space<hbm>>
      %dma_wait3A_96 = tpu.memref_squeeze %dma_wait3A_95 : memref<1x640x128xf32, #tpu.memory_space<hbm>> -> memref<640x128xf32, #tpu.memory_space<hbm>>
      %dma_wait3A_97 = arith.constant 0 : i32
      %dma_wait3A_98 = tpu.memref_slice %arg13[%mul3A_2, %dma_wait3A_97] : memref<10240x128xf32, #tpu.memory_space<vmem_shared>> -> memref<640x128xf32, #tpu.memory_space<vmem_shared>>
      tpu.wait_dma2 semaphore(%run_scoped3A_88 : memref<!tpu.dma_semaphore, #tpu.memory_space<semaphore_mem>>) src(%dma_wait3A_98 : memref<640x128xf32, #tpu.memory_space<vmem_shared>>) dst(%dma_wait3A_96 : memref<640x128xf32, #tpu.memory_space<hbm>>)
      tpu.yield
    }) : () -> ()
    return
  }
}

module attributes {stable_mosaic.version = 14 : i64} {
  func.func @_mm_body(%arg0: i32, %arg1: memref<1000x128xf32, #tpu.memory_space<vmem>>, %arg2: memref<128x128xf32, #tpu.memory_space<vmem>>, %arg3: memref<1000x128xf32, #tpu.memory_space<vmem>>) attributes {dimension_semantics = [#tpu.dimension_semantics<arbitrary>], iteration_bounds = array<i64: 10>, scalar_prefetch = 0 : i64, scratch_operands = 0 : i64, tpu.core_type = #tpu.core_type<tc>, window_params = [{transform_indices = @transform_0, window_bounds = array<i64: 1000, 128>}, {pipeline_mode = #tpu.pipeline_mode<synchronous>, transform_indices = @transform_1, window_bounds = array<i64: 128, 128>}, {transform_indices = @transform_2, window_bounds = array<i64: 1000, 128>}]} {
    %get3A = arith.constant 0 : index
    %get3A_0 = arith.constant 0 : index
    %get3A_1 = vector.load %arg1[%get3A, %get3A_0] : memref<1000x128xf32, #tpu.memory_space<vmem>>, vector<1000x128xf32>
    %get3A_2 = arith.constant 0 : index
    %get3A_3 = arith.constant 0 : index
    %get3A_4 = vector.load %arg2[%get3A_2, %get3A_3] : memref<128x128xf32, #tpu.memory_space<vmem>>, vector<128x128xf32>
    %dot_general3A = arith.constant dense<0.000000e+00> : vector<1000x128xf32>
    %dot_general3A_5 = tpu.matmul %get3A_1, %get3A_4, %dot_general3A {dimension_numbers = #tpu.dot_dimension_numbers<[1], [0], [0], [1], [0, 0, 1, 1], [], []>, transpose_lhs_hint = false} : vector<1000x128xf32>, vector<128x128xf32>, vector<1000x128xf32> -> vector<1000x128xf32>
    %swap3A = arith.constant 0 : index
    %swap3A_6 = arith.constant 0 : index
    %swap3A_7 = vector.load %arg3[%swap3A, %swap3A_6] : memref<1000x128xf32, #tpu.memory_space<vmem>>, vector<1000x128xf32>
    tpu.vector_store %arg3[%swap3A, %swap3A_6], %dot_general3A_5 {strides = array<i32>} : memref<1000x128xf32, #tpu.memory_space<vmem>>, vector<1000x128xf32>,
    return
  }
  func.func @transform_0(%arg0: i32) -> (i32, i32) {
    %c0_i32 = arith.constant 0 : i32
    %c0_i32_0 = arith.constant 0 : i32
    return %arg0, %c0_i32 : i32, i32
  }
  func.func @transform_1(%arg0: i32) -> (i32, i32) {
    %c0_i32 = arith.constant 0 : i32
    %c0_i32_0 = arith.constant 0 : i32
    %c0_i32_1 = arith.constant 0 : i32
    return %c0_i32, %c0_i32_0 : i32, i32
  }
  func.func @transform_2(%arg0: i32) -> (i32, i32) {
    %c0_i32 = arith.constant 0 : i32
    %c0_i32_0 = arith.constant 0 : i32
    return %arg0, %c0_i32 : i32, i32
  }
}

module attributes {stable_mosaic.version = 14 : i64} {
  func.func @_scale_body(%arg0: i32, %arg1: memref<1000x128xf32, #tpu.memory_space<vmem>>, %arg2: memref<2x1000x128xf32, #tpu.memory_space<vmem>>, %arg3: memref<1000x128xf32, #tpu.memory_space<vmem>>) attributes {dimension_semantics = [#tpu.dimension_semantics<arbitrary>], iteration_bounds = array<i64: 10>, scalar_prefetch = 0 : i64, scratch_operands = 0 : i64, tpu.core_type = #tpu.core_type<tc>, window_params = [{transform_indices = @transform_0, window_bounds = array<i64: 1000, 128>}, {transform_indices = @transform_1, window_bounds = array<i64: 2, 1000, 128>}, {transform_indices = @transform_2, window_bounds = array<i64: 1000, 128>}]} {
    %get3A = arith.constant 0 : index
    %get3A_0 = arith.constant 0 : index
    %get3A_1 = arith.constant 0 : index
    %get3A_2 = vector.load %arg2[%get3A, %get3A_0, %get3A_1] : memref<2x1000x128xf32, #tpu.memory_space<vmem>>, vector<1x1000x1xf32>
    %get3A_3 = vector.shape_cast %get3A_2 : vector<1x1000x1xf32> to vector<1000xf32>
    %get3A_4 = arith.constant 1 : index
    %get3A_5 = arith.constant 0 : index
    %get3A_6 = arith.constant 0 : index
    %get3A_7 = vector.load %arg2[%get3A_4, %get3A_5, %get3A_6] : memref<2x1000x128xf32, #tpu.memory_space<vmem>>, vector<1x1000x1xf32>
    %get3A_8 = vector.shape_cast %get3A_7 : vector<1x1000x1xf32> to vector<1000xf32>
    %add3A = arith.addf %get3A_3, %get3A_8 : vector<1000xf32>
    %max3A = arith.constant 1.000000e+00 : f32
    %max3A_9 = vector.broadcast %max3A : f32 to vector<1000xf32>
    %max3A_10 = arith.maximumf %add3A, %max3A_9 : vector<1000xf32>
    %rsqrt3A = math.rsqrt %max3A_10 : vector<1000xf32>
    %get3A_11 = arith.constant 0 : index
    %get3A_12 = arith.constant 0 : index
    %get3A_13 = vector.load %arg1[%get3A_11, %get3A_12] : memref<1000x128xf32, #tpu.memory_space<vmem>>, vector<1000x128xf32>
    %broadcast_in_dim3A = vector.shape_cast %rsqrt3A : vector<1000xf32> to vector<1000x1xf32>
    %mul3A = vector.broadcast %broadcast_in_dim3A : vector<1000x1xf32> to vector<1000x128xf32>
    %mul3A_14 = arith.mulf %get3A_13, %mul3A : vector<1000x128xf32>
    %swap3A = arith.constant 0 : index
    %swap3A_15 = arith.constant 0 : index
    %swap3A_16 = vector.load %arg3[%swap3A, %swap3A_15] : memref<1000x128xf32, #tpu.memory_space<vmem>>, vector<1000x128xf32>
    tpu.vector_store %arg3[%swap3A, %swap3A_15], %mul3A_14 {strides = array<i32>} : memref<1000x128xf32, #tpu.memory_space<vmem>>, vector<1000x128xf32>,
    return
  }
  func.func @transform_0(%arg0: i32) -> (i32, i32) {
    %c0_i32 = arith.constant 0 : i32
    %c0_i32_0 = arith.constant 0 : i32
    return %arg0, %c0_i32 : i32, i32
  }
  func.func @transform_1(%arg0: i32) -> (i32, i32, i32) {
    %c0_i32 = arith.constant 0 : i32
    %c0_i32_0 = arith.constant 0 : i32
    %c0_i32_1 = arith.constant 0 : i32
    return %c0_i32, %arg0, %c0_i32_0 : i32, i32, i32
  }
  func.func @transform_2(%arg0: i32) -> (i32, i32) {
    %c0_i32 = arith.constant 0 : i32
    %c0_i32_0 = arith.constant 0 : i32
    return %arg0, %c0_i32 : i32, i32
  }
}

module attributes {stable_mosaic.version = 14 : i64} {
  func.func @_final_body(%arg0: i32, %arg1: memref<2x1000x128xf32, #tpu.memory_space<vmem>>, %arg2: memref<2x1000x128xf32, #tpu.memory_space<vmem>>, %arg3: memref<128xf32, #tpu.memory_space<vmem>>, %arg4: memref<1000x128xf32, #tpu.memory_space<vmem>>) attributes {dimension_semantics = [#tpu.dimension_semantics<arbitrary>], iteration_bounds = array<i64: 10>, scalar_prefetch = 0 : i64, scratch_operands = 0 : i64, tpu.core_type = #tpu.core_type<tc>, window_params = [{transform_indices = @transform_0, window_bounds = array<i64: 2, 1000, 128>}, {transform_indices = @transform_1, window_bounds = array<i64: 2, 1000, 128>}, {pipeline_mode = #tpu.pipeline_mode<synchronous>, transform_indices = @transform_2, window_bounds = array<i64: 128>}, {transform_indices = @transform_3, window_bounds = array<i64: 1000, 128>}]} {
    %get3A = arith.constant 0 : index
    %get3A_0 = arith.constant 0 : index
    %get3A_1 = arith.constant 0 : index
    %get3A_2 = vector.load %arg2[%get3A, %get3A_0, %get3A_1] : memref<2x1000x128xf32, #tpu.memory_space<vmem>>, vector<1x1000x1xf32>
    %get3A_3 = vector.shape_cast %get3A_2 : vector<1x1000x1xf32> to vector<1000xf32>
    %get3A_4 = arith.constant 1 : index
    %get3A_5 = arith.constant 0 : index
    %get3A_6 = arith.constant 0 : index
    %get3A_7 = vector.load %arg2[%get3A_4, %get3A_5, %get3A_6] : memref<2x1000x128xf32, #tpu.memory_space<vmem>>, vector<1x1000x1xf32>
    %get3A_8 = vector.shape_cast %get3A_7 : vector<1x1000x1xf32> to vector<1000xf32>
    %add3A = arith.addf %get3A_3, %get3A_8 : vector<1000xf32>
    %max3A = arith.constant 1.000000e+00 : f32
    %max3A_9 = vector.broadcast %max3A : f32 to vector<1000xf32>
    %max3A_10 = arith.maximumf %add3A, %max3A_9 : vector<1000xf32>
    %rsqrt3A = math.rsqrt %max3A_10 : vector<1000xf32>
    %get3A_11 = arith.constant 0 : index
    %get3A_12 = arith.constant 0 : index
    %get3A_13 = arith.constant 0 : index
    %get3A_14 = vector.load %arg1[%get3A_11, %get3A_12, %get3A_13] : memref<2x1000x128xf32, #tpu.memory_space<vmem>>, vector<1x1000x128xf32>
    %get3A_15 = vector.shape_cast %get3A_14 : vector<1x1000x128xf32> to vector<1000x128xf32>
    %get3A_16 = arith.constant 1 : index
    %get3A_17 = arith.constant 0 : index
    %get3A_18 = arith.constant 0 : index
    %get3A_19 = vector.load %arg1[%get3A_16, %get3A_17, %get3A_18] : memref<2x1000x128xf32, #tpu.memory_space<vmem>>, vector<1x1000x128xf32>
    %get3A_20 = vector.shape_cast %get3A_19 : vector<1x1000x128xf32> to vector<1000x128xf32>
    %add3A_21 = arith.addf %get3A_15, %get3A_20 : vector<1000x128xf32>
    %broadcast_in_dim3A = vector.shape_cast %rsqrt3A : vector<1000xf32> to vector<1000x1xf32>
    %mul3A = vector.broadcast %broadcast_in_dim3A : vector<1000x1xf32> to vector<1000x128xf32>
    %mul3A_22 = arith.mulf %add3A_21, %mul3A : vector<1000x128xf32>
    %get3A_23 = arith.constant 0 : index
    %get3A_24 = vector.load %arg3[%get3A_23] : memref<128xf32, #tpu.memory_space<vmem>>, vector<128xf32>
    %broadcast_in_dim3A_25 = vector.shape_cast %get3A_24 : vector<128xf32> to vector<1x128xf32>
    %add3A_26 = vector.broadcast %broadcast_in_dim3A_25 : vector<1x128xf32> to vector<1000x128xf32>
    %add3A_27 = arith.addf %mul3A_22, %add3A_26 : vector<1000x128xf32>
    %swap3A = arith.constant 0 : index
    %swap3A_28 = arith.constant 0 : index
    %swap3A_29 = vector.load %arg4[%swap3A, %swap3A_28] : memref<1000x128xf32, #tpu.memory_space<vmem>>, vector<1000x128xf32>
    tpu.vector_store %arg4[%swap3A, %swap3A_28], %add3A_27 {strides = array<i32>} : memref<1000x128xf32, #tpu.memory_space<vmem>>, vector<1000x128xf32>,
    return
  }
  func.func @transform_0(%arg0: i32) -> (i32, i32, i32) {
    %c0_i32 = arith.constant 0 : i32
    %c0_i32_0 = arith.constant 0 : i32
    %c0_i32_1 = arith.constant 0 : i32
    return %c0_i32, %arg0, %c0_i32_0 : i32, i32, i32
  }
  func.func @transform_1(%arg0: i32) -> (i32, i32, i32) {
    %c0_i32 = arith.constant 0 : i32
    %c0_i32_0 = arith.constant 0 : i32
    %c0_i32_1 = arith.constant 0 : i32
    return %c0_i32, %arg0, %c0_i32_0 : i32, i32, i32
  }
  func.func @transform_2(%arg0: i32) -> i32 {
    %c0_i32 = arith.constant 0 : i32
    %c0_i32_0 = arith.constant 0 : i32
    return %c0_i32 : i32
  }
  func.func @transform_3(%arg0: i32) -> (i32, i32) {
    %c0_i32 = arith.constant 0 : i32
    %c0_i32_0 = arith.constant 0 : i32
    return %arg0, %c0_i32 : i32, i32
  }
}

</mosaic_0001>

<sc_bundles>
// kernel: _impl.10.cloned.1.call-start
scs
__scs_entry_jumppad:
0x0: {  	(pc) =	sbr.rel $0x88, $3  }
0x1: {  	(tag) =	ssettag $0x0;
	lr =	simm.s32 $0x1  }
0x2: {  	[smem:$0x3F9D] =	sst lr;
	_ =	strace $0xD0000000  }
0x3: {  	_ = 	snop  }
0x4: {  	_ = 	snop  }
0x5: {  	_ = 	snop  }
0x6: {  	_ = 	snop  }
0x7: {  	_ = 	snop  }
__scs_overlays_trampoline_lowered:
0x8: {  	[smem:$0x3FAC] =	sst s0  }
0x9: {  	[smem:$0x3FAD] =	sst s1  }
0xa: {  	[smem:$0x3FAE] =	sst s2  }
0xb: {  	[smem:$0x3FAF] =	sst s3  }
0xc: {  	[smem:$0x3FB0] =	sst s4  }
0xd: {  	[smem:$0x3FB1] =	sst s5  }
0xe: {  	[smem:$0x3FB2] =	sst s6  }
0xf: {  	[smem:$0x3FB3] =	sst s7  }
0x10: {  	[smem:$0x3FB4] =	sst s8  }
0x11: {  	[smem:$0x3FB5] =	sst s9;
	s0 =	simm.s32 @!p0 $0x0  }
0x12: {  	s1 =	sld [smem:$0x3F9B];
	s0 =	simm.s32 @p0 $0x1  }
0x13: {  	[smem:$0x3FB6] =	sst s0;
	s0 =	simm.s32 @!p1 $0x0  }
0x14: {  	s2 =	sld [smem:$0x3F9A];
	s0 =	simm.s32 @p1 $0x1  }
0x15: {  	[smem:$0x3FB7] =	sst s0;
	s0 =	simm.s32 @!p2 $0x0  }
0x16: {  	s3 =	sld [smem:$0x3FDB];
	s0 =	simm.s32 @p2 $0x1  }
0x17: {  	s4 =	simm.s32 $0x1BF5;
	[smem:$0x3FB9] =	sst s0  }
0x18: {  	s0 =	sld [smem:$0x3F9C];
	_ =	swait.ge [sflag:s4], $0x0  }
0x19: {  	s7 =	sld [smem:$0x3F9D]  }
0x1a: {  	s8 =	sadd.s32 $0xFFFFE003, lr  }
0x1b: {  	s9 =	sadd.s32 $0xFFFFFEF7, lr;
	s5 =	simm.s32 $0xFFFFFFFF;
	p2 =	slt.u32 s8, $0xFFFFF086  }
0x1c: {  	p1 =	slt.u32 s9, $0xF7A;
	s5 =	simm.s32 @!p2 $0x0  }
0x1d: {  	s5 =	simm.s32 @p1 $0x1;
	p0 =	seq.s32 s7, s2  }
0x1e: {  	s7 =	smul.u32 @!p0 $0xF7A, s2;
	p2 =	seq.s32 @!p0 s5, $0x0  }
0x1f: {  	s9 =	smul.u32 $0xF7A, s1;
	s8 =	simm.s32 @!p0 $0x1BF5;
	p2 =	por !p2, p0  }
0x20: {  	[sflag:s8] =	ssyncset.s32 @!p0 $0xFFFFF086;
	s6 =	sadd.s32 @!p0 s3, s7;
	s7 =	simm.s32 @!p0 $0x108  }
0x21: {  	s3 =	sadd.s32 s3, s9;
	s6 =	sadd.s32 @!p0 $0x88, s6;
	s7 =	simm.s32 @p2 $0x1082  }
0x22: {  	[simem:s7], [sflag:s8] =	dma.local @!p0 [hbm:s6], $0xF7A  }
0x23: {  	s9 =	sor.u32 $0xD0000000, s2;
	s6 =	simm.s32 $0x108;
	_ =	swait.ge @!p0 [sflag:s8], $0x0  }
0x24: {  	s3 =	sadd.s32 $0x88, s3;
	s6 =	simm.s32 @!p1 $0x1082;
	[sflag:s4] =	ssyncset.s32 $0xFFFFF086  }
0x25: {  	[simem:s6], [sflag:s4] =	dma.local [hbm:s3], $0xF7A  }
0x26: {  	[smem:$0x3F9D] =	sst s1;
	(tag) =	ssettag s2;
	_ =	strace s9  }
0x27: {  	s1 =	sld [smem:$0x3FAD]  }
0x28: {  	s2 =	sld [smem:$0x3FAE]  }
0x29: {  	s4 =	sld [smem:$0x3FB0]  }
0x2a: {  	p0 =	seq.s32 s5, $0x0;
	s5 =	sld [smem:$0x3FB1]  }
0x2b: {  	s6 =	sld [smem:$0x3FB2]  }
0x2c: {  	s7 =	sld [smem:$0x3FB3]  }
0x2d: {  	s3 =	simm.s32 $0x108;
	s8 =	sld [smem:$0x3FB4]  }
0x2e: {  	s3 =	simm.s32 @!p0 $0x1082;
	s9 =	sld [smem:$0x3FB5]  }
0x2f: {  	lr =	sadd.s32 s0, s3;
	s0 =	sld [smem:$0x3FAC]  }
0x30: {  	s3 =	sld [smem:$0x3FAF]  }
0x31: {  	[smem:$0x3FB8] =	sst s10  }
0x32: {  	s10 =	sld [smem:$0x3FB6];
	_ =	sdelay $0x3  }
0x33: {  	p0 =	seq.s32 s10, $0x1;
	s10 =	sld [smem:$0x3FB8];
	_ =	sdelay $0x3  }
0x34: {  	[smem:$0x3FB8] =	sst s10  }
0x35: {  	s10 =	sld [smem:$0x3FB7];
	_ =	sdelay $0x3  }
0x36: {  	p1 =	seq.s32 s10, $0x1;
	s10 =	sld [smem:$0x3FB8];
	_ =	sdelay $0x3  }
0x37: {  	[smem:$0x3FB8] =	sst s10  }
0x38: {  	s10 =	sld [smem:$0x3FB9]  }
0x39: {  	_ = 	snop;
	(pc) =	sbr.ind lr, $3  }
0x3a: {  	_ = 	snop  }
0x3b: {  	_ = 	snop  }
0x3c: {  	p2 =	seq.s32 s10, $0x1;
	s10 =	sld [smem:$0x3FB8]  }
0x3d: {  	_ =	shalt  }
0x3e: {  	_ =	shalt  }
0x3f: {  	_ =	shalt  }
0x40: {  	_ =	shalt  }
0x41: {  	_ =	shalt  }
0x42: {  	_ =	shalt  }
0x43: {  	_ =	shalt  }
0x44: {  	_ =	shalt  }
0x45: {  	_ =	shalt  }
0x46: {  	_ =	shalt  }
0x47: {  	_ =	shalt  }
0x48: {  	_ =	shalt  }
0x49: {  	_ =	shalt  }
0x4a: {  	_ =	shalt  }
0x4b: {  	_ =	shalt  }
0x4c: {  	_ =	shalt  }
0x4d: {  	_ =	shalt  }
0x4e: {  	_ =	shalt  }
0x4f: {  	_ =	shalt  }
0x50: {  	_ =	shalt  }
0x51: {  	_ =	shalt  }
0x52: {  	_ =	shalt  }
0x53: {  	_ =	shalt  }
0x54: {  	_ =	shalt  }
0x55: {  	_ =	shalt  }
0x56: {  	_ =	shalt  }
0x57: {  	_ =	shalt  }
0x58: {  	_ =	shalt  }
0x59: {  	_ =	shalt  }
0x5a: {  	_ =	shalt  }
0x5b: {  	_ =	shalt  }
0x5c: {  	_ =	shalt  }
0x5d: {  	_ =	shalt  }
0x5e: {  	_ =	shalt  }
0x5f: {  	_ =	shalt  }
0x60: {  	_ =	shalt  }
0x61: {  	_ =	shalt  }
0x62: {  	_ =	shalt  }
0x63: {  	_ =	shalt  }
0x64: {  	_ =	shalt  }
0x65: {  	_ =	shalt  }
0x66: {  	_ =	shalt  }
0x67: {  	_ =	shalt  }
0x68: {  	_ =	shalt  }
0x69: {  	_ =	shalt  }
0x6a: {  	_ =	shalt  }
0x6b: {  	_ =	shalt  }
0x6c: {  	_ =	shalt  }
0x6d: {  	_ =	shalt  }
0x6e: {  	_ =	shalt  }
0x6f: {  	_ =	shalt  }
0x70: {  	_ =	shalt  }
0x71: {  	_ =	shalt  }
0x72: {  	_ =	shalt  }
0x73: {  	_ =	shalt  }
0x74: {  	_ =	shalt  }
0x75: {  	_ =	shalt  }
0x76: {  	_ =	shalt  }
0x77: {  	_ =	shalt  }
0x78: {  	_ =	shalt  }
0x79: {  	_ =	shalt  }
0x7a: {  	_ =	shalt  }
0x7b: {  	_ =	shalt  }
0x7c: {  	_ =	shalt  }
0x7d: {  	_ =	shalt  }
0x7e: {  	_ =	shalt  }
0x7f: {  	_ =	shalt  }
0x80: {  	_ =	shalt  }
0x81: {  	_ =	shalt  }
0x82: {  	_ =	shalt  }
0x83: {  	_ =	shalt  }
0x84: {  	_ =	shalt  }
0x85: {  	_ =	shalt  }
0x86: {  	_ =	shalt  }
0x87: {  	_ =	shalt  }
.Lfunc_end0:
.L_simem_size_0:
called_computation.1_lowered:
.L_overlay_start_0:
0x88: {  	s2 =	sld [smem:$0x3FD9]  }
0x89: {  	s3 =	sld [smem:$0x3FFE];
	_ =	sdelay $0x1  }
0x8a: {  	s1 =	srdreg.scid  }
0x8b: {  	s0 =	sand.u32 $0x1, s1  }
0x8c: {  	s17 =	sshll.u32 s0, $0xA;
	s2 =	sadd.s32 s3, s2  }
0x8d: {  	s2 =	sadd.s32 s2, s17  }
0x8e: {  	[smem:$0x3FC4] =	sst s2  }
0x8f: {  	_ = 	snop  }
0x90: {  	s2 =	sld [smem:$0x3FD0];
	(tm) =	ssettm $0x1  }
0x91: {  	s18 =	sld [smem:$0x3FFB];
	_ =	sdelay $0x3  }
0x92: {  	_ =	strace s18  }
0x93: {  	s3 =	sld [smem:$0x3FFC];
	_ =	sdelay $0x3  }
0x94: {  	_ =	strace s3  }
0x95: {  	s3 =	sld [smem:$0x3FFD];
	_ =	sdelay $0x3  }
0x96: {  	_ =	strace s3  }
0x97: {  	_ =	strace $0x8FFFFFFF  }
0x98: {  	s19 =	sld [smem:$0x3FDB];
	_ =	sdelay $0x1  }
0x99: {  	s4 =	simm.s32 $_scs_section_size  }
0x9a: {  	s5 =	simm.s32 $_size__tile_overlayer_lowered;
	s6 =	simm.s32 $_tile_overlayer_lowered  }
0x9b: {  	s22 =	simm.s32 $0x1BFF;
	s21 =	sshll.u32 s6, $0x1;
	s3 =	sadd.s32 s4, s19  }
0x9c: {  	s7 =	simm.s32 $0x0;
	s20 =	sshll.u32 s5, $0x1;
	s5 =	sadd.s32 s21, s3  }
0x9d: {  	[timem:s7], [sflag:s22] =	dma.local [hbm:s5], s20  }
0x9e: {  	_ =	swait.ge [sflag:s22], s20  }
0x9f: {  	s4 =	ssub.s32 $0x0, s20;
	[sflag:s22] =	ssyncset.done $0x0  }
0xa0: {  	[sflag:s22] =	ssyncadd.s32 s4;
	_ =	sdelay $0x1  }
0xa1: {  	s23 =	simm.s32 $0x1B8B  }
0xa2: {  	_ =	swait.ge [sflag:s23], $0x1  }
0xa3: {  	[sflag:s23] =	ssyncset.done $0x0  }
0xa4: {  	s25 =	simm.s32 $0x1B8E;
	s24 =	sld [smem:$0x3FFE];
	[sflag:s23] =	ssyncadd.s32 $0xFFFFFFFF  }
0xa5: {  	s26 =	simm.s32 $execute0_lowered;
	[smem:$0x3FD2] =	sst s25  }
0xa6: {  	s5 =	sshll.u32 s26, $0x1;
	_ =	strace $0x80000049;
	[dreg:$0x1] =	wrdreg $0xFFFFFFFF  }
0xa7: {  	s28 =	simm.s32 $_size_execute0_lowered;
	s3 =	sadd.s32 s3, s5;
	[dreg:$0x0] =	wrdreg $0x0  }
0xa8: {  	s5 =	sshll.u32 s28, $0x1;
	[dreg:$0x2] =	wrdreg s3  }
0xa9: {  	[dreg:$0x3] =	wrdreg s5  }
0xaa: {  	[dreg:$0x4] =	wrdreg $0xC0  }
0xab: {  	_ =	task [dreg:s7], $0x5FFFF  }
0xac: {  	[dreg:$0x1] =	wrdreg $0xFFFFFFFF  }
0xad: {  	[dreg:$0x0] =	wrdreg $0x60  }
0xae: {  	[dreg:$0x2] =	wrdreg s2  }
0xaf: {  	[dreg:$0x3] =	wrdreg s24  }
0xb0: {  	[dreg:$0x4] =	wrdreg $0xA8000  }
0xb1: {  	[dreg:$0x5] =	wrdreg $0x9  }
0xb2: {  	_ =	task.clear_ibuf [dreg:s7], $0x6FFFF;
	_ =	strace $0x90000049  }
0xb3: {  	s29 =	simm.s32 $0x9;
	_ =	strace $0x8000004B  }
0xb4: {  	_ =	swait.ge [sflag:s29], $0x1  }
0xb5: {  	[sflag:s29] =	ssyncadd.s32 $0xFFFFFFFF  }
0xb6: {  	_ =	strace $0x9000004B  }
0xb7: {  	_ =	sfence  }
0xb8: {  	s30 =	sld [smem:$0x0];
	_ =	sdelay $0x2  }
0xb9: {  	s31 =	sshll.u32 s1, $0xD;
	s1 =	sshrl.u32 s1, $0x2  }
0xba: {  	s3 =	sand.u32 $0x4000, s31;
	s1 =	sadd.s32 s1, s30  }
0xbb: {  	s0 =	sor.u32 s3, s0;
	s1 =	sshll.u32 s1, $0x11  }
0xbc: {  	s0 =	sor.u32 s1, s0  }
0xbd: {  	s0 =	sadd.s32 $0x8F2B, s0  }
0xbe: {  	[sflag:s0] =	ssyncadd.remote.s32 $0x1  }
0xbf: {  	_ =	sfence.sel $0xFFFF  }
0xc0: {  	[dreg:$0x0] =	wrdreg $0xFFFFFFFF;
	(pc) =	sbr.abs _section_cstart, $3  }
0xc1: {  	[dreg:$0x1] =	wrdreg $0xFFFFFFFF  }
0xc2: {  	_ =	task.clear_ibuf [dreg:s7], $0x2FFFF;
	_ =	strace $0x9FFFFFFF  }
0xc3: {  	(tm) =	ssettm $0x7FFFFFFF  }
tec
execute0_lowered:
.L_overlay_start_1:
0x0: {  	(tag) =	ssettag $0x1  }
0x1: {  	s1 =	rddreg [dreg:$0x0]  }
0x2: {  	s6 =	rddreg [dreg:$0x1]  }
0x3: {  	s0 =	srdreg.scid;
	s3 =	rddreg [dreg:$0x2];
	s4 =	simm.s32 $0x0  }
0x4: {  	s16 =	simm.s32 $0x2800;
	s17 =	simm.s32 $0x5;
	s18 =	simm.s32 $0x1400  }
0x5: {  	s19 =	simm.s32 $0x80;
	s20 =	simm.s32 $0x6800;
	s21 =	simm.s32 $0x1  }
0x6: {  	s22 =	simm.s32 $0x2;
	s23 =	simm.s32 $0x3;
	s24 =	simm.s32 $0x4  }
0x7: {  	s25 =	simm.s32 $0x2700;
	s5 =	sand.u32 $0x1, s0;
	s0 =	stileid.u32  }
0x8: {  	s26 =	simm.s32 $0x2780;
	[smem:$0x7FF] =	sst s4;
	s8 =	smul.u32 $0x140000, s5  }
0x9: {  	s2 =	sshll.u32 s5, $0x4;
	s10 =	smul.u32 $0x50000, s0;
	s5 =	ssub.s32 $0x2, s5  }
0xa: {  	s9 =	smul.u32 $0x14000, s0;
	s2 =	sor.u32 s0, s2;
	s29 =	sshrl.u32 s5, $0x1  }
0xb: {  	s7 =	smul.u32 $0x2800, s2;
	s2 =	rddreg [dreg:$0x3];
	s30 =	sshrl.u32 s10, $0x2  }
0xc: {  	_ =	strace $0x8000004A;
	s12 =	ssub.s32 s5, s29;
	s5 =	sadd.s32 s30, s3  }
0xd: {  	s28 =	sadd.s32 s9, s8;
	s7 =	sshrl.u32 s7, $0x3;
	s13 =	sadd.s32 $0x8000, s5  }
0xe: {  	s14 =	sadd.s32 $0xC000, s5;
	s11 =	sadd.s32 s7, s6;
	s7 =	sshrl.u32 s28, $0x3  }
0xf: {  	s15 =	sadd.s32 $0x10000, s5;
	s31 =	sadd.s32 s7, s6;
	s6 =	sadd.s32 $0x1A00, s11  }
0x10: {  	s7 =	sadd.s32 $0xBA00, s11;
	s8 =	sadd.s32 $0x1C80, s11;
	s9 =	sadd.s32 $0xBC80, s11  }
0x11: {  	v0 =	vimm.f32 $0.0e+00;
	s11 =	smax.u32 s12, $0x1;
	s12 =	sadd.s32 $0x4000, s5;
	s10 =	sadd.s32 $0x15A00, s31  }
.LBB2_1:
0x12: {  	s28 =	simm.s32 $0x0;
	s29 =	simm.s32 $0x200  }
.LBB2_2:
0x13: {  	p0 =	sne.s32 s29, $0xFE00;
	[tilespmem:s28+$0x2870] =	vst v0  }
0x14: {  	[tilespmem:s28+$0x2800] =	vst v0  }
0x15: {  	[tilespmem:s28+$0x2810] =	vst v0  }
.Ltmp0:
0x16: {  	[tilespmem:s28+$0x2820] =	vst v0;
	(pc) =	sbr.rel @p0 .LBB2_2-.Ltmp0, $4  }
0x17: {  	[tilespmem:s28+$0x2830] =	vst v0  }
0x18: {  	[tilespmem:s28+$0x2840] =	vst v0  }
0x19: {  	[tilespmem:s28+$0x2850] =	vst v0  }
0x1a: {  	[tilespmem:s28+$0x2860] =	vst v0;
	s28 =	sshra.s32 s29, $0x2;
	s29 =	sadd.s32 $0x200, s29  }
0x1b: {  	[tilespmem:s28+$0x2870] =	vst v0  }
0x1c: {  	[tilespmem:s28+$0x2800] =	vst v0  }
0x1d: {  	[tilespmem:s28+$0x2810] =	vst v0  }
0x1e: {  	[tilespmem:s28+$0x2820] =	vst v0  }
0x1f: {  	[tilespmem:s28+$0x2830] =	vst v0  }
0x20: {  	[tilespmem:s28+$0x2840] =	vst v0  }
0x21: {  	[tilespmem:s28+$0x2850] =	vst v0  }
0x22: {  	[tilespmem:s28+$0x2860] =	vst v0  }
0x23: {  	[spmem:s5] =	stream.linear.scatter [tilespmem:s16], [sflag:$0x5], $0x4000, $0x38;
	[tilespmem:$0x1E800] =	vst v63  }
0x24: {  	_ =	swait.ge [sflag:s17], $0x4000  }
0x25: {  	[sflag:s17] =	ssyncset.done $0x0  }
0x26: {  	[sflag:s17] =	ssyncadd.s32 $0xFFFFC000  }
0x27: {  	[spmem:s12] =	stream.linear.scatter [tilespmem:s16], [sflag:$0x5], $0x4000, $0x38;
	[tilespmem:$0x1E800] =	vst v63  }
0x28: {  	_ =	swait.ge [sflag:s17], $0x4000  }
0x29: {  	[sflag:s17] =	ssyncset.done $0x0  }
0x2a: {  	[sflag:s17] =	ssyncadd.s32 $0xFFFFC000  }
0x2b: {  	[spmem:s13] =	stream.linear.scatter [tilespmem:s16], [sflag:$0x5], $0x4000, $0x38;
	[tilespmem:$0x1E800] =	vst v63  }
0x2c: {  	_ =	swait.ge [sflag:s17], $0x4000  }
0x2d: {  	[sflag:s17] =	ssyncset.done $0x0  }
0x2e: {  	[sflag:s17] =	ssyncadd.s32 $0xFFFFC000  }
0x2f: {  	[spmem:s14] =	stream.linear.scatter [tilespmem:s16], [sflag:$0x5], $0x4000, $0x38;
	[tilespmem:$0x1E800] =	vst v63  }
0x30: {  	_ =	swait.ge [sflag:s17], $0x4000  }
0x31: {  	[sflag:s17] =	ssyncset.done $0x0  }
0x32: {  	[sflag:s17] =	ssyncadd.s32 $0xFFFFC000  }
0x33: {  	[spmem:s15] =	stream.linear.scatter [tilespmem:s16], [sflag:$0x5], $0x4000, $0x38;
	[tilespmem:$0x1E800] =	vst v63  }
0x34: {  	_ =	swait.ge [sflag:s17], $0x4000  }
0x35: {  	[sflag:s17] =	ssyncset.done $0x0  }
0x36: {  	[sflag:s17] =	ssyncadd.s32 $0xFFFFC000  }
0x37: {  	s28 =	simm.s32 $0x0;
	[bflag:$0x0] =	sbarrier.arrive $0xFFFF  }
0x38: {  	[tilespmem:s28], [sflag:$0x5] =	stream.linear.gather [hbm4b:s6+s28], $0x1400, $0x38;
	[tilespmem:$0x1E800] =	vst v63  }
0x39: {  	_ =	swait.ge [sflag:s17], $0x1400  }
0x3a: {  	[sflag:s17] =	ssyncset.done $0x0  }
0x3b: {  	[sflag:s17] =	ssyncadd.s32 $0xFFFFEC00  }
0x3c: {  	[tilespmem:s18], [sflag:$0x5] =	stream.linear.gather [hbm4b:s7+s28], $0x1400, $0x38;
	[tilespmem:$0x1E800] =	vst v63  }
0x3d: {  	_ =	swait.ge [sflag:s17], $0x1400  }
0x3e: {  	[sflag:s17] =	ssyncset.done $0x0  }
0x3f: {  	[sflag:s17] =	ssyncadd.s32 $0xFFFFEC00  }
0x40: {  	[tilespmem:s16], [sflag:$0x1] =	stream.indirect.gather [hbm4b:s1+s19], $0x80, s28, s19, $0xb8;
	[tilespmem:$0x1E800] =	vst v63  }
0x41: {  	_ = 	snop  }
0x42: {  	[tilespmem:s20], [sflag:$0x2] =	stream.indirect.gather [hbm4b:s1+s19], $0x80, s19, s19, $0xb8;
	[tilespmem:$0x1E800] =	vst v63  }
0x43: {  	_ =	swait.ge [sflag:s21], $0x4000  }
0x44: {  	[sflag:s21] =	ssyncset.done $0x0  }
0x45: {  	s28 =	simm.s32 $0x1400;
	[sflag:s21] =	ssyncadd.s32 $0xFFFFC000  }
0x46: {  	[spmem:s3] =	stream.indirect.scatter.add.f32 [tilespmem:s16], [sflag:$0x3], $0x80, s28, s19, $0xb8;
	[tilespmem:$0x1E800] =	vst v63  }
0x47: {  	_ =	swait.ge [sflag:s22], $0x4000  }
0x48: {  	[sflag:s22] =	ssyncset.done $0x0  }
0x49: {  	s28 =	simm.s32 $0x1480;
	[sflag:s22] =	ssyncadd.s32 $0xFFFFC000  }
0x4a: {  	[spmem:s3] =	stream.indirect.scatter.add.f32 [tilespmem:s20], [sflag:$0x4], $0x80, s28, s19, $0xb8;
	[tilespmem:$0x1E800] =	vst v63  }
0x4b: {  	_ =	swait.ge [sflag:s23], $0x4000  }
0x4c: {  	[sflag:s23] =	ssyncset.done $0x0  }
0x4d: {  	s28 =	simm.s32 $0x100;
	[sflag:s23] =	ssyncadd.s32 $0xFFFFC000  }
0x4e: {  	[tilespmem:s16], [sflag:$0x1] =	stream.indirect.gather [hbm4b:s1+s19], $0x80, s28, s19, $0xb8;
	[tilespmem:$0x1E800] =	vst v63  }
0x4f: {  	_ =	swait.ge [sflag:s24], $0x4000  }
0x50: {  	[sflag:s24] =	ssyncset.done $0x0  }
0x51: {  	s29 =	simm.s32 $0x180;
	s28 =	simm.s32 $0x400;
	[sflag:s24] =	ssyncadd.s32 $0xFFFFC000  }
.LBB2_4:
0x52: {  	[tilespmem:s20], [sflag:$0x2] =	stream.indirect.gather [hbm4b:s1+s19], $0x80, s29, s19, $0xb8;
	[tilespmem:$0x1E800] =	vst v63  }
0x53: {  	s29 =	smov.u32 s28  }
0x54: {  	p0 =	sne.s32 s28, $0x4800;
	s28 =	sadd.s32 $0x400, s28;
	_ =	swait.ge [sflag:s21], $0x4000  }
0x55: {  	s29 =	sshra.s32 s29, $0x2;
	[sflag:s21] =	ssyncset.done $0x0  }
0x56: {  	s30 =	sadd.s32 $0x1400, s29;
	[sflag:s21] =	ssyncadd.s32 $0xFFFFC000  }
0x57: {  	[spmem:s3] =	stream.indirect.scatter.add.f32 [tilespmem:s16], [sflag:$0x3], $0x80, s30, s19, $0xb8;
	[tilespmem:$0x1E800] =	vst v63  }
0x58: {  	_ =	swait.ge [sflag:s22], $0x4000  }
0x59: {  	[sflag:s22] =	ssyncset.done $0x0  }
0x5a: {  	s30 =	sadd.s32 $0x1480, s29;
	[sflag:s22] =	ssyncadd.s32 $0xFFFFC000  }
0x5b: {  	[spmem:s3] =	stream.indirect.scatter.add.f32 [tilespmem:s20], [sflag:$0x4], $0x80, s30, s19, $0xb8;
	[tilespmem:$0x1E800] =	vst v63  }
0x5c: {  	_ =	swait.ge [sflag:s23], $0x4000  }
0x5d: {  	[sflag:s23] =	ssyncset.done $0x0  }
.Ltmp1:
0x5e: {  	s30 =	sadd.s32 $0x100, s29;
	[sflag:s23] =	ssyncadd.s32 $0xFFFFC000;
	(pc) =	sbr.rel @p0 .LBB2_4-.Ltmp1, $4  }
0x5f: {  	[tilespmem:s16], [sflag:$0x1] =	stream.indirect.gather [hbm4b:s1+s19], $0x80, s30, s19, $0xb8;
	[tilespmem:$0x1E800] =	vst v63  }
0x60: {  	_ =	swait.ge [sflag:s24], $0x4000  }
0x61: {  	[sflag:s24] =	ssyncset.done $0x0  }
0x62: {  	s29 =	sadd.s32 $0x180, s29;
	[sflag:s24] =	ssyncadd.s32 $0xFFFFC000  }
0x63: {  	[tilespmem:s20], [sflag:$0x2] =	stream.indirect.gather [hbm4b:s1+s19], $0x80, s29, s19, $0xb8;
	[tilespmem:$0x1E800] =	vst v63  }
0x64: {  	_ =	swait.ge [sflag:s21], $0x4000  }
0x65: {  	[sflag:s21] =	ssyncset.done $0x0  }
0x66: {  	[sflag:s21] =	ssyncadd.s32 $0xFFFFC000  }
0x67: {  	[spmem:s3] =	stream.indirect.scatter.add.f32 [tilespmem:s16], [sflag:$0x3], $0x80, s25, s19, $0xb8;
	[tilespmem:$0x1E800] =	vst v63  }
0x68: {  	_ =	swait.ge [sflag:s22], $0x4000  }
0x69: {  	[sflag:s22] =	ssyncset.done $0x0  }
0x6a: {  	[sflag:s22] =	ssyncadd.s32 $0xFFFFC000  }
0x6b: {  	[spmem:s3] =	stream.indirect.scatter.add.f32 [tilespmem:s20], [sflag:$0x4], $0x80, s26, s19, $0xb8;
	[tilespmem:$0x1E800] =	vst v63  }
0x6c: {  	_ =	swait.ge [sflag:s23], $0x4000  }
0x6d: {  	[sflag:s23] =	ssyncset.done $0x0  }
0x6e: {  	[sflag:s23] =	ssyncadd.s32 $0xFFFFC000  }
0x6f: {  	_ =	swait.ge [sflag:s24], $0x4000  }
0x70: {  	[sflag:s24] =	ssyncset.done $0x0  }
0x71: {  	s28 =	simm.s32 $0x0;
	[sflag:s24] =	ssyncadd.s32 $0xFFFFC000  }
0x72: {  	[tilespmem:s28], [sflag:$0x5] =	stream.linear.gather [hbm4b:s8+s28], $0x1400, $0x38;
	[tilespmem:$0x1E800] =	vst v63  }
0x73: {  	_ =	swait.ge [sflag:s17], $0x1400  }
0x74: {  	[sflag:s17] =	ssyncset.done $0x0  }
0x75: {  	[sflag:s17] =	ssyncadd.s32 $0xFFFFEC00  }
0x76: {  	[tilespmem:s18], [sflag:$0x5] =	stream.linear.gather [hbm4b:s9+s28], $0x1400, $0x38;
	[tilespmem:$0x1E800] =	vst v63  }
0x77: {  	_ =	swait.ge [sflag:s17], $0x1400  }
0x78: {  	[sflag:s17] =	ssyncset.done $0x0  }
0x79: {  	[sflag:s17] =	ssyncadd.s32 $0xFFFFEC00  }
0x7a: {  	[tilespmem:s16], [sflag:$0x1] =	stream.indirect.gather [hbm4b:s1+s19], $0x80, s28, s19, $0xb8;
	[tilespmem:$0x1E800] =	vst v63  }
0x7b: {  	_ = 	snop  }
0x7c: {  	[tilespmem:s20], [sflag:$0x2] =	stream.indirect.gather [hbm4b:s1+s19], $0x80, s19, s19, $0xb8;
	[tilespmem:$0x1E800] =	vst v63  }
0x7d: {  	_ =	swait.ge [sflag:s21], $0x4000  }
0x7e: {  	[sflag:s21] =	ssyncset.done $0x0  }
0x7f: {  	s28 =	simm.s32 $0x1400;
	[sflag:s21] =	ssyncadd.s32 $0xFFFFC000  }
0x80: {  	[spmem:s3] =	stream.indirect.scatter.add.f32 [tilespmem:s16], [sflag:$0x3], $0x80, s28, s19, $0xb8;
	[tilespmem:$0x1E800] =	vst v63  }
0x81: {  	_ =	swait.ge [sflag:s22], $0x4000  }
0x82: {  	[sflag:s22] =	ssyncset.done $0x0  }
0x83: {  	s28 =	simm.s32 $0x1480;
	[sflag:s22] =	ssyncadd.s32 $0xFFFFC000  }
0x84: {  	[spmem:s3] =	stream.indirect.scatter.add.f32 [tilespmem:s20], [sflag:$0x4], $0x80, s28, s19, $0xb8;
	[tilespmem:$0x1E800] =	vst v63  }
0x85: {  	_ =	swait.ge [sflag:s23], $0x4000  }
0x86: {  	[sflag:s23] =	ssyncset.done $0x0  }
0x87: {  	s28 =	simm.s32 $0x100;
	[sflag:s23] =	ssyncadd.s32 $0xFFFFC000  }
0x88: {  	[tilespmem:s16], [sflag:$0x1] =	stream.indirect.gather [hbm4b:s1+s19], $0x80, s28, s19, $0xb8;
	[tilespmem:$0x1E800] =	vst v63  }
0x89: {  	_ =	swait.ge [sflag:s24], $0x4000  }
0x8a: {  	[sflag:s24] =	ssyncset.done $0x0  }
0x8b: {  	s29 =	simm.s32 $0x180;
	s28 =	simm.s32 $0x400;
	[sflag:s24] =	ssyncadd.s32 $0xFFFFC000  }
.LBB2_6:
0x8c: {  	[tilespmem:s20], [sflag:$0x2] =	stream.indirect.gather [hbm4b:s1+s19], $0x80, s29, s19, $0xb8;
	[tilespmem:$0x1E800] =	vst v63  }
0x8d: {  	s29 =	smov.u32 s28  }
0x8e: {  	p0 =	sne.s32 s28, $0x4800;
	s28 =	sadd.s32 $0x400, s28;
	_ =	swait.ge [sflag:s21], $0x4000  }
0x8f: {  	s29 =	sshra.s32 s29, $0x2;
	[sflag:s21] =	ssyncset.done $0x0  }
0x90: {  	s30 =	sadd.s32 $0x1400, s29;
	[sflag:s21] =	ssyncadd.s32 $0xFFFFC000  }
0x91: {  	[spmem:s3] =	stream.indirect.scatter.add.f32 [tilespmem:s16], [sflag:$0x3], $0x80, s30, s19, $0xb8;
	[tilespmem:$0x1E800] =	vst v63  }
0x92: {  	_ =	swait.ge [sflag:s22], $0x4000  }
0x93: {  	[sflag:s22] =	ssyncset.done $0x0  }
0x94: {  	s30 =	sadd.s32 $0x1480, s29;
	[sflag:s22] =	ssyncadd.s32 $0xFFFFC000  }
0x95: {  	[spmem:s3] =	stream.indirect.scatter.add.f32 [tilespmem:s20], [sflag:$0x4], $0x80, s30, s19, $0xb8;
	[tilespmem:$0x1E800] =	vst v63  }
0x96: {  	_ =	swait.ge [sflag:s23], $0x4000  }
0x97: {  	[sflag:s23] =	ssyncset.done $0x0  }
.Ltmp2:
0x98: {  	s30 =	sadd.s32 $0x100, s29;
	[sflag:s23] =	ssyncadd.s32 $0xFFFFC000;
	(pc) =	sbr.rel @p0 .LBB2_6-.Ltmp2, $4  }
0x99: {  	[tilespmem:s16], [sflag:$0x1] =	stream.indirect.gather [hbm4b:s1+s19], $0x80, s30, s19, $0xb8;
	[tilespmem:$0x1E800] =	vst v63  }
0x9a: {  	_ =	swait.ge [sflag:s24], $0x4000  }
0x9b: {  	[sflag:s24] =	ssyncset.done $0x0  }
0x9c: {  	s29 =	sadd.s32 $0x180, s29;
	[sflag:s24] =	ssyncadd.s32 $0xFFFFC000  }
0x9d: {  	[tilespmem:s20], [sflag:$0x2] =	stream.indirect.gather [hbm4b:s1+s19], $0x80, s29, s19, $0xb8;
	[tilespmem:$0x1E800] =	vst v63  }
0x9e: {  	_ =	swait.ge [sflag:s21], $0x4000  }
0x9f: {  	[sflag:s21] =	ssyncset.done $0x0  }
0xa0: {  	[sflag:s21] =	ssyncadd.s32 $0xFFFFC000  }
0xa1: {  	[spmem:s3] =	stream.indirect.scatter.add.f32 [tilespmem:s16], [sflag:$0x3], $0x80, s25, s19, $0xb8;
	[tilespmem:$0x1E800] =	vst v63  }
0xa2: {  	_ =	swait.ge [sflag:s22], $0x4000  }
0xa3: {  	[sflag:s22] =	ssyncset.done $0x0  }
0xa4: {  	[sflag:s22] =	ssyncadd.s32 $0xFFFFC000  }
0xa5: {  	[spmem:s3] =	stream.indirect.scatter.add.f32 [tilespmem:s20], [sflag:$0x4], $0x80, s26, s19, $0xb8;
	[tilespmem:$0x1E800] =	vst v63  }
0xa6: {  	_ =	swait.ge [sflag:s23], $0x4000  }
0xa7: {  	[sflag:s23] =	ssyncset.done $0x0  }
0xa8: {  	[sflag:s23] =	ssyncadd.s32 $0xFFFFC000  }
0xa9: {  	_ =	swait.ge [sflag:s24], $0x4000  }
0xaa: {  	s28 =	sshll.u32 s0, $0x6;
	s4 =	sadd.s32 $0x1, s4;
	[sflag:s24] =	ssyncset.done $0x0  }
0xab: {  	s31 =	sshrl.u32 s5, $0x3;
	p0 =	sne.s32 s4, s11;
	[sflag:s24] =	ssyncadd.s32 $0xFFFFC000  }
.Ltmp3:
0xac: {  	s28 =	sor.u32 $0x1C05, s28;
	[bflag:$0x0] =	sbarrier.arrive $0xFFFF;
	(pc) =	sbr.rel @p0 .LBB2_1-.Ltmp3, $4  }
0xad: {  	[hbm:s10], [sflag:s28] =	dma.local [spmem:s31], $0x2800  }
0xae: {  	_ =	swait.ge [sflag:s17], $0x2800  }
0xaf: {  	[sflag:s17] =	ssyncset.done $0x0  }
0xb0: {  	[sflag:s17] =	ssyncadd.s32 $0xFFFFD800  }
0xb1: {  	_ =	sfence.sel $0x180000  }
0xb2: {  	[bflag:$0x0] =	sbarrier.arrive $0xFFFF  }
0xb3: {  	p0 =	sne.s32 s0, $0x0;
	_ =	strace $0x9000004A  }
0xb4: {  	s0 =	sadd.s32 @!p0 $0x100000, s2;
	[bflag:$0x2] =	sbarrier.arrive $0xFFFF  }
0xb5: {  	[sflag:s0] =	ssyncadd.tile.s32 @!p0 $0x1;
	_ =	shalt  }
.Lfunc_end2:
_tile_overlayer_lowered:
.L_overlay_start_2:
0xb6: {  	(tag) =	ssettag $0x2  }
0xb7: {  	s0 =	rddreg [dreg:$0x0];
	s2 =	stileid.u32  }
0xb8: {  	s1 =	rddreg [dreg:$0x1];
	p0 =	sne.s32 s2, $0x0  }
0xb9: {  	s3 =	rddreg [dreg:$0x2];
	[bflag:$0x3] =	sbarrier.arrive $0xFFFF;
	s2 =	simm.s32 @!p0 $0x1C05  }
0xba: {  	[timem:s3], [sflag:s2] =	dma.local @!p0 [hbm:s0], s1  }
0xbb: {  	s0 =	simm.s32 @!p0 $0x5  }
0xbc: {  	_ =	swait.ge @!p0 [sflag:s0], s1  }
0xbd: {  	s1 =	ssub.s32 @!p0 $0x0, s1;
	[sflag:s0] =	ssyncset.done @!p0 $0x0  }
0xbe: {  	[sflag:s0] =	ssyncadd.s32 @!p0 s1  }
0xbf: {  	[bflag:$0x3] =	sbarrier.arrive $0xFFFF  }
0xc0: {  	_ =	shalt  }

// kernel: _impl.7.cloned.1.call-start
scs
__scs_entry_jumppad:
0x0: {  	(pc) =	sbr.rel $0x88, $3  }
0x1: {  	(tag) =	ssettag $0x0;
	lr =	simm.s32 $0x1  }
0x2: {  	[smem:$0x3F9D] =	sst lr;
	_ =	strace $0xD0000000  }
0x3: {  	_ = 	snop  }
0x4: {  	_ = 	snop  }
0x5: {  	_ = 	snop  }
0x6: {  	_ = 	snop  }
0x7: {  	_ = 	snop  }
__scs_overlays_trampoline_lowered:
0x8: {  	[smem:$0x3FAC] =	sst s0  }
0x9: {  	[smem:$0x3FAD] =	sst s1  }
0xa: {  	[smem:$0x3FAE] =	sst s2  }
0xb: {  	[smem:$0x3FAF] =	sst s3  }
0xc: {  	[smem:$0x3FB0] =	sst s4  }
0xd: {  	[smem:$0x3FB1] =	sst s5  }
0xe: {  	[smem:$0x3FB2] =	sst s6  }
0xf: {  	[smem:$0x3FB3] =	sst s7  }
0x10: {  	[smem:$0x3FB4] =	sst s8  }
0x11: {  	[smem:$0x3FB5] =	sst s9;
	s0 =	simm.s32 @!p0 $0x0  }
0x12: {  	s1 =	sld [smem:$0x3F9B];
	s0 =	simm.s32 @p0 $0x1  }
0x13: {  	[smem:$0x3FB6] =	sst s0;
	s0 =	simm.s32 @!p1 $0x0  }
0x14: {  	s2 =	sld [smem:$0x3F9A];
	s0 =	simm.s32 @p1 $0x1  }
0x15: {  	[smem:$0x3FB7] =	sst s0;
	s0 =	simm.s32 @!p2 $0x0  }
0x16: {  	s3 =	sld [smem:$0x3FDB];
	s0 =	simm.s32 @p2 $0x1  }
0x17: {  	s4 =	simm.s32 $0x1BF5;
	[smem:$0x3FB9] =	sst s0  }
0x18: {  	s0 =	sld [smem:$0x3F9C];
	_ =	swait.ge [sflag:s4], $0x0  }
0x19: {  	s7 =	sld [smem:$0x3F9D]  }
0x1a: {  	s8 =	sadd.s32 $0xFFFFE003, lr  }
0x1b: {  	s9 =	sadd.s32 $0xFFFFFEF7, lr;
	s5 =	simm.s32 $0xFFFFFFFF;
	p2 =	slt.u32 s8, $0xFFFFF086  }
0x1c: {  	p1 =	slt.u32 s9, $0xF7A;
	s5 =	simm.s32 @!p2 $0x0  }
0x1d: {  	s5 =	simm.s32 @p1 $0x1;
	p0 =	seq.s32 s7, s2  }
0x1e: {  	s7 =	smul.u32 @!p0 $0xF7A, s2;
	p2 =	seq.s32 @!p0 s5, $0x0  }
0x1f: {  	s9 =	smul.u32 $0xF7A, s1;
	s8 =	simm.s32 @!p0 $0x1BF5;
	p2 =	por !p2, p0  }
0x20: {  	[sflag:s8] =	ssyncset.s32 @!p0 $0xFFFFF086;
	s6 =	sadd.s32 @!p0 s3, s7;
	s7 =	simm.s32 @!p0 $0x108  }
0x21: {  	s3 =	sadd.s32 s3, s9;
	s6 =	sadd.s32 @!p0 $0x88, s6;
	s7 =	simm.s32 @p2 $0x1082  }
0x22: {  	[simem:s7], [sflag:s8] =	dma.local @!p0 [hbm:s6], $0xF7A  }
0x23: {  	s9 =	sor.u32 $0xD0000000, s2;
	s6 =	simm.s32 $0x108;
	_ =	swait.ge @!p0 [sflag:s8], $0x0  }
0x24: {  	s3 =	sadd.s32 $0x88, s3;
	s6 =	simm.s32 @!p1 $0x1082;
	[sflag:s4] =	ssyncset.s32 $0xFFFFF086  }
0x25: {  	[simem:s6], [sflag:s4] =	dma.local [hbm:s3], $0xF7A  }
0x26: {  	[smem:$0x3F9D] =	sst s1;
	(tag) =	ssettag s2;
	_ =	strace s9  }
0x27: {  	s1 =	sld [smem:$0x3FAD]  }
0x28: {  	s2 =	sld [smem:$0x3FAE]  }
0x29: {  	s4 =	sld [smem:$0x3FB0]  }
0x2a: {  	p0 =	seq.s32 s5, $0x0;
	s5 =	sld [smem:$0x3FB1]  }
0x2b: {  	s6 =	sld [smem:$0x3FB2]  }
0x2c: {  	s7 =	sld [smem:$0x3FB3]  }
0x2d: {  	s3 =	simm.s32 $0x108;
	s8 =	sld [smem:$0x3FB4]  }
0x2e: {  	s3 =	simm.s32 @!p0 $0x1082;
	s9 =	sld [smem:$0x3FB5]  }
0x2f: {  	lr =	sadd.s32 s0, s3;
	s0 =	sld [smem:$0x3FAC]  }
0x30: {  	s3 =	sld [smem:$0x3FAF]  }
0x31: {  	[smem:$0x3FB8] =	sst s10  }
0x32: {  	s10 =	sld [smem:$0x3FB6];
	_ =	sdelay $0x3  }
0x33: {  	p0 =	seq.s32 s10, $0x1;
	s10 =	sld [smem:$0x3FB8];
	_ =	sdelay $0x3  }
0x34: {  	[smem:$0x3FB8] =	sst s10  }
0x35: {  	s10 =	sld [smem:$0x3FB7];
	_ =	sdelay $0x3  }
0x36: {  	p1 =	seq.s32 s10, $0x1;
	s10 =	sld [smem:$0x3FB8];
	_ =	sdelay $0x3  }
0x37: {  	[smem:$0x3FB8] =	sst s10  }
0x38: {  	s10 =	sld [smem:$0x3FB9]  }
0x39: {  	_ = 	snop;
	(pc) =	sbr.ind lr, $3  }
0x3a: {  	_ = 	snop  }
0x3b: {  	_ = 	snop  }
0x3c: {  	p2 =	seq.s32 s10, $0x1;
	s10 =	sld [smem:$0x3FB8]  }
0x3d: {  	_ =	shalt  }
0x3e: {  	_ =	shalt  }
0x3f: {  	_ =	shalt  }
0x40: {  	_ =	shalt  }
0x41: {  	_ =	shalt  }
0x42: {  	_ =	shalt  }
0x43: {  	_ =	shalt  }
0x44: {  	_ =	shalt  }
0x45: {  	_ =	shalt  }
0x46: {  	_ =	shalt  }
0x47: {  	_ =	shalt  }
0x48: {  	_ =	shalt  }
0x49: {  	_ =	shalt  }
0x4a: {  	_ =	shalt  }
0x4b: {  	_ =	shalt  }
0x4c: {  	_ =	shalt  }
0x4d: {  	_ =	shalt  }
0x4e: {  	_ =	shalt  }
0x4f: {  	_ =	shalt  }
0x50: {  	_ =	shalt  }
0x51: {  	_ =	shalt  }
0x52: {  	_ =	shalt  }
0x53: {  	_ =	shalt  }
0x54: {  	_ =	shalt  }
0x55: {  	_ =	shalt  }
0x56: {  	_ =	shalt  }
0x57: {  	_ =	shalt  }
0x58: {  	_ =	shalt  }
0x59: {  	_ =	shalt  }
0x5a: {  	_ =	shalt  }
0x5b: {  	_ =	shalt  }
0x5c: {  	_ =	shalt  }
0x5d: {  	_ =	shalt  }
0x5e: {  	_ =	shalt  }
0x5f: {  	_ =	shalt  }
0x60: {  	_ =	shalt  }
0x61: {  	_ =	shalt  }
0x62: {  	_ =	shalt  }
0x63: {  	_ =	shalt  }
0x64: {  	_ =	shalt  }
0x65: {  	_ =	shalt  }
0x66: {  	_ =	shalt  }
0x67: {  	_ =	shalt  }
0x68: {  	_ =	shalt  }
0x69: {  	_ =	shalt  }
0x6a: {  	_ =	shalt  }
0x6b: {  	_ =	shalt  }
0x6c: {  	_ =	shalt  }
0x6d: {  	_ =	shalt  }
0x6e: {  	_ =	shalt  }
0x6f: {  	_ =	shalt  }
0x70: {  	_ =	shalt  }
0x71: {  	_ =	shalt  }
0x72: {  	_ =	shalt  }
0x73: {  	_ =	shalt  }
0x74: {  	_ =	shalt  }
0x75: {  	_ =	shalt  }
0x76: {  	_ =	shalt  }
0x77: {  	_ =	shalt  }
0x78: {  	_ =	shalt  }
0x79: {  	_ =	shalt  }
0x7a: {  	_ =	shalt  }
0x7b: {  	_ =	shalt  }
0x7c: {  	_ =	shalt  }
0x7d: {  	_ =	shalt  }
0x7e: {  	_ =	shalt  }
0x7f: {  	_ =	shalt  }
0x80: {  	_ =	shalt  }
0x81: {  	_ =	shalt  }
0x82: {  	_ =	shalt  }
0x83: {  	_ =	shalt  }
0x84: {  	_ =	shalt  }
0x85: {  	_ =	shalt  }
0x86: {  	_ =	shalt  }
0x87: {  	_ =	shalt  }
.Lfunc_end0:
.L_simem_size_0:
called_computation_lowered:
.L_overlay_start_0:
0x88: {  	s2 =	sld [smem:$0x3FD9]  }
0x89: {  	s3 =	sld [smem:$0x3FFE];
	_ =	sdelay $0x1  }
0x8a: {  	s1 =	srdreg.scid  }
0x8b: {  	s0 =	sand.u32 $0x1, s1  }
0x8c: {  	s16 =	sshll.u32 s0, $0xA;
	s2 =	sadd.s32 s3, s2  }
0x8d: {  	s2 =	sadd.s32 s2, s16  }
0x8e: {  	[smem:$0x3FC4] =	sst s2  }
0x8f: {  	_ = 	snop  }
0x90: {  	(tm) =	ssettm $0x1  }
0x91: {  	s17 =	sld [smem:$0x3FFB];
	_ =	sdelay $0x3  }
0x92: {  	_ =	strace s17  }
0x93: {  	s2 =	sld [smem:$0x3FFC];
	_ =	sdelay $0x3  }
0x94: {  	_ =	strace s2  }
0x95: {  	s2 =	sld [smem:$0x3FFD];
	_ =	sdelay $0x3  }
0x96: {  	_ =	strace s2  }
0x97: {  	_ =	strace $0x8FFFFFFF  }
0x98: {  	s18 =	sld [smem:$0x3FDB];
	_ =	sdelay $0x1  }
0x99: {  	s19 =	simm.s32 $_scs_section_size  }
0x9a: {  	s4 =	simm.s32 $_size__tile_overlayer_lowered;
	s5 =	simm.s32 $_tile_overlayer_lowered  }
0x9b: {  	s22 =	simm.s32 $0x1BFF;
	s21 =	sshll.u32 s5, $0x1;
	s2 =	sadd.s32 s19, s18  }
0x9c: {  	s6 =	simm.s32 $0x0;
	s20 =	sshll.u32 s4, $0x1;
	s4 =	sadd.s32 s21, s2  }
0x9d: {  	[timem:s6], [sflag:s22] =	dma.local [hbm:s4], s20  }
0x9e: {  	_ =	swait.ge [sflag:s22], s20  }
0x9f: {  	s3 =	ssub.s32 $0x0, s20;
	[sflag:s22] =	ssyncset.done $0x0  }
0xa0: {  	[sflag:s22] =	ssyncadd.s32 s3;
	_ =	sdelay $0x1  }
0xa1: {  	s23 =	simm.s32 $0x1B8B  }
0xa2: {  	_ =	swait.ge [sflag:s23], $0x1  }
0xa3: {  	[sflag:s23] =	ssyncset.done $0x0  }
0xa4: {  	s25 =	simm.s32 $0x1B8E;
	s24 =	sld [smem:$0x3FFE];
	[sflag:s23] =	ssyncadd.s32 $0xFFFFFFFF  }
0xa5: {  	s26 =	simm.s32 $execute0_lowered;
	[smem:$0x3FD2] =	sst s25  }
0xa6: {  	s4 =	sshll.u32 s26, $0x1;
	_ =	strace $0x80000046;
	[dreg:$0x1] =	wrdreg $0xFFFFFFFF  }
0xa7: {  	s28 =	simm.s32 $_size_execute0_lowered;
	s2 =	sadd.s32 s2, s4;
	[dreg:$0x0] =	wrdreg $0x0  }
0xa8: {  	s4 =	sshll.u32 s28, $0x1;
	[dreg:$0x2] =	wrdreg s2  }
0xa9: {  	[dreg:$0x3] =	wrdreg s4  }
0xaa: {  	[dreg:$0x4] =	wrdreg $0xC0  }
0xab: {  	_ =	task [dreg:s6], $0x5FFFF  }
0xac: {  	[dreg:$0x1] =	wrdreg $0xFFFFFFFF  }
0xad: {  	[dreg:$0x0] =	wrdreg $0x60  }
0xae: {  	[dreg:$0x2] =	wrdreg s24  }
0xaf: {  	[dreg:$0x3] =	wrdreg $0x1AC800  }
0xb0: {  	[dreg:$0x4] =	wrdreg $0x9  }
0xb1: {  	_ =	task.clear_ibuf [dreg:s6], $0x5FFFF;
	_ =	strace $0x90000046  }
0xb2: {  	s29 =	simm.s32 $0x9;
	_ =	strace $0x80000048  }
0xb3: {  	_ =	swait.ge [sflag:s29], $0x1  }
0xb4: {  	[sflag:s29] =	ssyncadd.s32 $0xFFFFFFFF  }
0xb5: {  	_ =	strace $0x90000048  }
0xb6: {  	_ =	sfence  }
0xb7: {  	s30 =	sld [smem:$0x0];
	_ =	sdelay $0x2  }
0xb8: {  	s31 =	sshll.u32 s1, $0xD;
	s1 =	sshrl.u32 s1, $0x2  }
0xb9: {  	s3 =	sand.u32 $0x4000, s31;
	s1 =	sadd.s32 s1, s30  }
0xba: {  	s0 =	sor.u32 s3, s0;
	s1 =	sshll.u32 s1, $0x11  }
0xbb: {  	s0 =	sor.u32 s1, s0  }
0xbc: {  	s0 =	sadd.s32 $0x8F2B, s0  }
0xbd: {  	[sflag:s0] =	ssyncadd.remote.s32 $0x1  }
0xbe: {  	_ =	sfence.sel $0xFFFF  }
0xbf: {  	[dreg:$0x0] =	wrdreg $0xFFFFFFFF;
	(pc) =	sbr.abs _section_cstart, $3  }
0xc0: {  	[dreg:$0x1] =	wrdreg $0xFFFFFFFF  }
0xc1: {  	_ =	task.clear_ibuf [dreg:s6], $0x2FFFF;
	_ =	strace $0x9FFFFFFF  }
0xc2: {  	(tm) =	ssettm $0x7FFFFFFF  }
0xc3: {  	_ =	shalt  }
tec
execute0_lowered:
.L_overlay_start_1:
0x0: {  	(tag) =	ssettag $0x1  }
0x1: {  	s4 =	rddreg [dreg:$0x0]  }
0x2: {  	s1 =	rddreg [dreg:$0x1]  }
0x3: {  	s2 =	srdreg.scid;
	s0 =	rddreg [dreg:$0x2]  }
0x4: {  	s3 =	simm.s32 $0x0;
	s11 =	simm.s32 $0x80;
	s12 =	simm.s32 $0x6800  }
0x5: {  	s13 =	simm.s32 $0x6880;
	s14 =	simm.s32 $0x6C80;
	s5 =	sand.u32 $0x1, s2  }
0x6: {  	s15 =	simm.s32 $0x0;
	s2 =	stileid.u32;
	s6 =	smul.u32 $0x140000, s5  }
0x7: {  	[smem:$0x7FF] =	sst s3;
	s7 =	smul.u32 $0x14000, s2;
	s8 =	sshll.u32 s5, $0x4  }
0x8: {  	_ =	strace $0x80000047;
	s5 =	ssub.s32 $0x2, s5;
	s9 =	smul.u32 $0xA00, s2  }
0x9: {  	s30 =	sshll.u32 s2, $0xA;
	s8 =	sor.u32 s2, s8;
	s28 =	sshrl.u32 s5, $0x1  }
0xa: {  	s6 =	sadd.s32 s7, s6;
	s26 =	smul.u32 $0x2800, s8;
	s8 =	ssub.s32 s5, s28  }
0xb: {  	v0 =	vlaneseq.u32;
	s31 =	sshrl.u32 s9, $0x2;
	s9 =	simm.s32 $0x2800;
	s6 =	sshrl.u32 s6, $0x3  }
0xc: {  	v1 =	vimm.f32 $0.0e+00;
	v9 =	vimm.f32 $1.000000000e+00;
	v2 =	vor.u32 $0x10, v0;
	s8 =	smax.u32 s8, $0x1;
	s10 =	sadd.s32 s6, s4;
	s29 =	sshrl.u32 s26, $0x3  }
0xd: {  	v3 =	vor.u32 $0x20, v0;
	v4 =	vor.u32 $0x30, v0;
	v5 =	vor.u32 $0x40, v0;
	s6 =	sadd.s32 s31, s1;
	s5 =	sadd.s32 s4, s29;
	s4 =	sadd.s32 s30, s1  }
0xe: {  	v6 =	vor.u32 $0x50, v0;
	v7 =	vor.u32 $0x60, v0;
	v8 =	vor.u32 $0x70, v0;
	s7 =	sadd.s32 $0x15A00, s10;
	s10 =	simm.s32 $0x1;
	s5 =	sadd.s32 $0xBA00, s5  }
.LBB2_1:
0xf: {  	s16 =	simm.s32 $0x0;
	s17 =	simm.s32 $0x200  }
.LBB2_2:
0x10: {  	p0 =	sne.s32 s17, $0xFE00;
	[tilespmem:s16+$0x2870] =	vst v1  }
0x11: {  	[tilespmem:s16+$0x2800] =	vst v1  }
0x12: {  	[tilespmem:s16+$0x2810] =	vst v1  }
.Ltmp0:
0x13: {  	[tilespmem:s16+$0x2820] =	vst v1;
	(pc) =	sbr.rel @p0 .LBB2_2-.Ltmp0, $4  }
0x14: {  	[tilespmem:s16+$0x2830] =	vst v1  }
0x15: {  	[tilespmem:s16+$0x2840] =	vst v1  }
0x16: {  	[tilespmem:s16+$0x2850] =	vst v1  }
0x17: {  	[tilespmem:s16+$0x2860] =	vst v1;
	s16 =	sshra.s32 s17, $0x2;
	s17 =	sadd.s32 $0x200, s17  }
0x18: {  	[tilespmem:s16+$0x2870] =	vst v1  }
0x19: {  	[tilespmem:s16+$0x2800] =	vst v1  }
0x1a: {  	[tilespmem:s16+$0x2810] =	vst v1  }
0x1b: {  	[tilespmem:s16+$0x2820] =	vst v1  }
0x1c: {  	[tilespmem:s16+$0x2830] =	vst v1  }
0x1d: {  	[tilespmem:s16+$0x2840] =	vst v1  }
0x1e: {  	[tilespmem:s16+$0x2850] =	vst v1  }
0x1f: {  	[tilespmem:s16+$0x2860] =	vst v1  }
0x20: {  	[tilespmem:$0x6800] =	vst v0  }
0x21: {  	[tilespmem:$0x6810] =	vst v2  }
0x22: {  	[tilespmem:$0x6820] =	vst v3  }
0x23: {  	[tilespmem:$0x6830] =	vst v4  }
0x24: {  	[tilespmem:$0x6840] =	vst v5  }
0x25: {  	[tilespmem:$0x6850] =	vst v6  }
0x26: {  	[tilespmem:$0x6860] =	vst v7  }
0x27: {  	[tilespmem:$0x6870] =	vst v8  }
0x28: {  	[spmem:s4] =	stream.linear.scatter [tilespmem:s9], [sflag:$0x1], $0x400, $0x38;
	[tilespmem:$0x1B080] =	vst v63  }
0x29: {  	_ =	swait.ge [sflag:s10], $0x400  }
0x2a: {  	[sflag:s10] =	ssyncset.done $0x0  }
0x2b: {  	[sflag:s10] =	ssyncadd.s32 $0xFFFFFC00  }
0x2c: {  	[tilespmem:s3], [sflag:$0x1] =	stream.linear.gather [hbm4b:s5+s3], $0x2800, $0x38;
	[tilespmem:$0x1B080] =	vst v63  }
0x2d: {  	_ =	swait.ge [sflag:s10], $0x2800  }
0x2e: {  	[sflag:s10] =	ssyncset.done $0x0  }
0x2f: {  	s16 =	simm.s32 $0x1C0;
	[sflag:s10] =	ssyncadd.s32 $0xFFFFD800  }
.LBB2_4:
0x30: {  	s17 =	sshra.s32 s16, $0x2  }
0x31: {  	v10 =	vld [tilespmem:s17+$0xFFFFFF90];
	_ =	sdelay $0x7  }
0x32: {  	[tilespmem:v10+s9+$0x0] =	vst.idx.add.f32.msk $0xffff, v9  }
0x33: {  	v10 =	vld [tilespmem:s17+$0xFFFFFFA0];
	_ =	sdelay $0x7  }
0x34: {  	[tilespmem:v10+s9+$0x0] =	vst.idx.add.f32.msk $0xffff, v9  }
0x35: {  	v10 =	vld [tilespmem:s17+$0xFFFFFFB0];
	_ =	sdelay $0x7  }
0x36: {  	[tilespmem:v10+s9+$0x0] =	vst.idx.add.f32.msk $0xffff, v9  }
0x37: {  	v10 =	vld [tilespmem:s17+$0xFFFFFFC0];
	_ =	sdelay $0x7  }
0x38: {  	[tilespmem:v10+s9+$0x0] =	vst.idx.add.f32.msk $0xffff, v9  }
0x39: {  	v10 =	vld [tilespmem:s17+$0xFFFFFFD0];
	_ =	sdelay $0x7  }
0x3a: {  	[tilespmem:v10+s9+$0x0] =	vst.idx.add.f32.msk $0xffff, v9  }
0x3b: {  	v10 =	vld [tilespmem:s17+$0xFFFFFFE0];
	_ =	sdelay $0x7  }
0x3c: {  	[tilespmem:v10+s9+$0x0] =	vst.idx.add.f32.msk $0xffff, v9  }
0x3d: {  	v10 =	vld [tilespmem:s17+$0xFFFFFFF0];
	_ =	sdelay $0x7  }
0x3e: {  	[tilespmem:v10+s9+$0x0] =	vst.idx.add.f32.msk $0xffff, v9  }
0x3f: {  	v10 =	vld [tilespmem:s17+$0x0];
	_ =	sdelay $0x2  }
0x40: {  	p0 =	sne.s32 s16, $0x9FC0  }
.Ltmp1:
0x41: {  	_ = 	snop;
	(pc) =	sbr.rel @p0 .LBB2_4-.Ltmp1, $2  }
0x42: {  	_ =	sdelay $0x2  }
0x43: {  	s16 =	sadd.s32 $0x200, s16;
	[tilespmem:v10+s9+$0x0] =	vst.idx.add.f32.msk $0xffff, v9  }
0x44: {  	[bflag:$0x0] =	sbarrier.arrive $0xFFFF  }
0x45: {  	[spmem:s1] =	stream.indirect.scatter.add.f32 [tilespmem:s9], [sflag:$0x1], $0x80, s12, s11, $0xb8;
	[tilespmem:$0x1B080] =	vst v63  }
0x46: {  	_ =	swait.ge [sflag:s10], $0x4000  }
0x47: {  	[sflag:s10] =	ssyncset.done $0x0  }
0x48: {  	[sflag:s10] =	ssyncadd.s32 $0xFFFFC000  }
0x49: {  	[bflag:$0x0] =	sbarrier.arrive $0xFFFF  }
0x4a: {  	[tilespmem:s13], [sflag:$0x1] =	stream.linear.gather [spmem:s6], $0x280, $0x38;
	[tilespmem:$0x1B080] =	vst v63  }
0x4b: {  	_ =	swait.ge [sflag:s10], $0x280  }
0x4c: {  	s16 =	simm.s32 $0x0;
	[sflag:s10] =	ssyncset.done $0x0  }
0x4d: {  	s16 =	sand.u32 $0x3F0, s16;
	[sflag:s10] =	ssyncadd.s32 $0xFFFFFD80  }
0x4e: {  	v10 =	vld [tilespmem:s16+$0x6880];
	_ =	sdelay $0x4  }
0x4f: {  	v11 =	vbroadcast v10, $0x0  }
0x50: {  	s16 =	simm.s32 $0x7080;
	v12 =	vbroadcast v10, $0x1  }
0x51: {  	v13 =	vbroadcast v10, $0x2;
	[tilespmem:s16+$0xFFFFFC00] =	vst v11  }
0x52: {  	v56 =	vbroadcast v10, $0x4;
	[tilespmem:s16+$0xFFFFFC80] =	vst v12  }
0x53: {  	v57 =	vbroadcast v10, $0x5;
	[tilespmem:s16+$0xFFFFFD00] =	vst v13  }
0x54: {  	v58 =	vbroadcast v10, $0x7;
	[tilespmem:s16+$0xFFFFFE00] =	vst v56  }
0x55: {  	v59 =	vbroadcast v10, $0x8;
	[tilespmem:s16+$0xFFFFFE80] =	vst v57  }
0x56: {  	v60 =	vbroadcast v10, $0xA;
	[tilespmem:s16+$0xFFFFFF80] =	vst v58  }
0x57: {  	v11 =	vbroadcast v10, $0x3;
	[tilespmem:s16+$0x0] =	vst v59  }
0x58: {  	v61 =	vbroadcast v10, $0xB;
	[tilespmem:s16+$0x100] =	vst v60  }
0x59: {  	[tilespmem:s16+$0xFFFFFD80] =	vst v11;
	v11 =	vbroadcast v10, $0x6  }
0x5a: {  	v62 =	vbroadcast v10, $0xD;
	[tilespmem:s16+$0x180] =	vst v61  }
0x5b: {  	[tilespmem:s16+$0xFFFFFF00] =	vst v11;
	v11 =	vbroadcast v10, $0x9  }
0x5c: {  	v63 =	vbroadcast v10, $0xE;
	[tilespmem:s16+$0x280] =	vst v62  }
0x5d: {  	[tilespmem:s16+$0x80] =	vst v11;
	v11 =	vbroadcast v10, $0xC  }
0x5e: {  	[tilespmem:s16+$0x300] =	vst v63;
	v10 =	vbroadcast v10, $0xF  }
0x5f: {  	s17 =	simm.s32 $0x10;
	[tilespmem:s16+$0x200] =	vst v11  }
0x60: {  	s18 =	sand.u32 $0x3F0, s17;
	s17 =	simm.s32 $0x20;
	[tilespmem:s16+$0x380] =	vst v10  }
.LBB2_6:
0x61: {  	p0 =	sne.s32 s17, $0x270;
	v10 =	vld [tilespmem:s18+$0x6880];
	_ =	sdelay $0x4  }
0x62: {  	v11 =	vbroadcast v10, $0x0;
	v12 =	vbroadcast v10, $0x1  }
0x63: {  	s16 =	sadd.s32 $0x800, s16;
	v13 =	vbroadcast v10, $0x2;
	v14 =	vbroadcast v10, $0x3  }
0x64: {  	v15 =	vbroadcast v10, $0x5;
	[tilespmem:s16+$0xFFFFFC00] =	vst v11;
	v11 =	vbroadcast v10, $0x4  }
0x65: {  	v16 =	vbroadcast v10, $0x7;
	[tilespmem:s16+$0xFFFFFC80] =	vst v12;
	v12 =	vbroadcast v10, $0x6  }
0x66: {  	v17 =	vbroadcast v10, $0x9;
	[tilespmem:s16+$0xFFFFFD00] =	vst v13;
	v13 =	vbroadcast v10, $0x8  }
0x67: {  	v18 =	vbroadcast v10, $0xB;
	[tilespmem:s16+$0xFFFFFD80] =	vst v14;
	v14 =	vbroadcast v10, $0xA  }
0x68: {  	v19 =	vbroadcast v10, $0xD;
	[tilespmem:s16+$0xFFFFFE00] =	vst v11;
	v11 =	vbroadcast v10, $0xC  }
0x69: {  	[tilespmem:s16+$0xFFFFFE80] =	vst v15;
	v15 =	vbroadcast v10, $0xE;
	v10 =	vbroadcast v10, $0xF  }
0x6a: {  	[tilespmem:s16+$0xFFFFFF00] =	vst v12  }
0x6b: {  	[tilespmem:s16+$0xFFFFFF80] =	vst v16  }
0x6c: {  	[tilespmem:s16+$0x0] =	vst v13  }
0x6d: {  	[tilespmem:s16+$0x80] =	vst v17  }
0x6e: {  	[tilespmem:s16+$0x100] =	vst v14  }
.Ltmp2:
0x6f: {  	[tilespmem:s16+$0x180] =	vst v18;
	(pc) =	sbr.rel @p0 .LBB2_6-.Ltmp2, $4  }
0x70: {  	[tilespmem:s16+$0x200] =	vst v11  }
0x71: {  	[tilespmem:s16+$0x280] =	vst v19  }
0x72: {  	[tilespmem:s16+$0x300] =	vst v15  }
0x73: {  	s18 =	sand.u32 $0x3F0, s17;
	s17 =	sadd.s32 $0x10, s17;
	[tilespmem:s16+$0x380] =	vst v10  }
0x74: {  	v10 =	vld [tilespmem:s18+$0x6880];
	_ =	sdelay $0x4  }
0x75: {  	v11 =	vbroadcast v10, $0x0  }
0x76: {  	s16 =	sadd.s32 $0x800, s16;
	v12 =	vbroadcast v10, $0x1  }
0x77: {  	v13 =	vbroadcast v10, $0x2;
	[tilespmem:s16+$0xFFFFFC00] =	vst v11  }
0x78: {  	v56 =	vbroadcast v10, $0x4;
	[tilespmem:s16+$0xFFFFFC80] =	vst v12  }
0x79: {  	v57 =	vbroadcast v10, $0x5;
	[tilespmem:s16+$0xFFFFFD00] =	vst v13  }
0x7a: {  	v58 =	vbroadcast v10, $0x7;
	[tilespmem:s16+$0xFFFFFE00] =	vst v56  }
0x7b: {  	v59 =	vbroadcast v10, $0x8;
	[tilespmem:s16+$0xFFFFFE80] =	vst v57  }
0x7c: {  	v60 =	vbroadcast v10, $0xA;
	[tilespmem:s16+$0xFFFFFF80] =	vst v58  }
0x7d: {  	v11 =	vbroadcast v10, $0x3;
	[tilespmem:s16+$0x0] =	vst v59  }
0x7e: {  	v61 =	vbroadcast v10, $0xB;
	[tilespmem:s16+$0x100] =	vst v60  }
0x7f: {  	[tilespmem:s16+$0xFFFFFD80] =	vst v11;
	v11 =	vbroadcast v10, $0x6  }
0x80: {  	v62 =	vbroadcast v10, $0xD;
	[tilespmem:s16+$0x180] =	vst v61  }
0x81: {  	[tilespmem:s16+$0xFFFFFF00] =	vst v11;
	v11 =	vbroadcast v10, $0x9  }
0x82: {  	v63 =	vbroadcast v10, $0xE;
	[tilespmem:s16+$0x280] =	vst v62  }
0x83: {  	[tilespmem:s16+$0x80] =	vst v11;
	v11 =	vbroadcast v10, $0xC  }
0x84: {  	s15 =	sadd.s32 $0x1, s15;
	[tilespmem:s16+$0x300] =	vst v63;
	v10 =	vbroadcast v10, $0xF  }
0x85: {  	p0 =	sne.s32 s15, s8;
	[tilespmem:s16+$0x200] =	vst v11  }
.Ltmp3:
0x86: {  	[tilespmem:s16+$0x380] =	vst v10;
	(pc) =	sbr.rel @p0 .LBB2_1-.Ltmp3, $4  }
0x87: {  	[hbm4b:s7+s3] =	stream.linear.scatter [tilespmem:s14], [sflag:$0x1], $0x14000, $0x38;
	[tilespmem:$0x1B080] =	vst v63  }
0x88: {  	_ =	swait.ge [sflag:s10], $0x14000  }
0x89: {  	[sflag:s10] =	ssyncset.done $0x0  }
0x8a: {  	[sflag:s10] =	ssyncadd.s32 $0xFFFEC000  }
0x8b: {  	_ =	sfence.sel $0x180000  }
0x8c: {  	[bflag:$0x0] =	sbarrier.arrive $0xFFFF  }
0x8d: {  	p0 =	sne.s32 s2, $0x0;
	_ =	strace $0x90000047  }
0x8e: {  	s0 =	sadd.s32 @!p0 $0x100000, s0;
	[bflag:$0x2] =	sbarrier.arrive $0xFFFF  }
0x8f: {  	[sflag:s0] =	ssyncadd.tile.s32 @!p0 $0x1;
	_ =	shalt  }
.Lfunc_end2:
_tile_overlayer_lowered:
.L_overlay_start_2:
0x90: {  	(tag) =	ssettag $0x2  }
0x91: {  	s0 =	rddreg [dreg:$0x0];
	s2 =	stileid.u32  }
0x92: {  	s1 =	rddreg [dreg:$0x1];
	p0 =	sne.s32 s2, $0x0  }
0x93: {  	s3 =	rddreg [dreg:$0x2];
	[bflag:$0x3] =	sbarrier.arrive $0xFFFF;
	s2 =	simm.s32 @!p0 $0x1C01  }
0x94: {  	[timem:s3], [sflag:s2] =	dma.local @!p0 [hbm:s0], s1  }
0x95: {  	s0 =	simm.s32 @!p0 $0x1  }
0x96: {  	_ =	swait.ge @!p0 [sflag:s0], s1  }
0x97: {  	s1 =	ssub.s32 @!p0 $0x0, s1;
	[sflag:s0] =	ssyncset.done @!p0 $0x0  }
0x98: {  	[sflag:s0] =	ssyncadd.s32 @!p0 s1  }
0x99: {  	[bflag:$0x3] =	sbarrier.arrive $0xFFFF  }
0x9a: {  	_ =	shalt  }

</sc_bundles>
